<compile_context>
chip_gen: v7x
topology: tpu7x:2x2x1
jax: 0.10.2.dev20260603
libtpu: 0.0.44.dev20260713+nightly
codegen_flags: <defaults>
</compile_context>

<pallas_src>
import functools

import jax
import jax.numpy as jnp
from jax import lax
from jax.experimental import pallas as pl
from jax.experimental.pallas import tpu as pltpu
from jax.experimental.pallas import tpu_sc as plsc

NC = 2
NS = 16
NW = NC * NS




def _sc_hist(n_pad, n_edges, window):
  epw = n_edges // NW
  nwin = epw // window
  chunk = n_pad // NS
  mesh = plsc.VectorSubcoreMesh(core_axis_name="c", subcore_axis_name="s")

  def body(dst_hbm, zeros_hbm, ones_hbm, out_hbm, acc_sh, ones_v,
           didx0, didx1, isem0, isem1, ssem0, ssem1):
    didx = (didx0, didx1)
    isem = (isem0, isem1)
    ssem = (ssem0, ssem1)
    c = lax.axis_index("c")
    s = lax.axis_index("s")
    wid = c * NS + s
    base = wid * epw
    row = pl.ds(s * chunk, chunk)

    pltpu.sync_copy(zeros_hbm.at[row], acc_sh.at[row])
    pltpu.sync_copy(ones_hbm, ones_v)
    plsc.subcore_barrier()

    def load_idx(p, off):
      pltpu.async_copy(dst_hbm.at[pl.ds(off, window)], didx[p], isem[p])

    def wait_idx(p):
      pltpu.make_async_copy(
          dst_hbm.at[pl.ds(0, window)], didx[p], isem[p]).wait()

    def wait_scat(p):
      pltpu.make_async_copy(ones_v, acc_sh.at[didx[p]], ssem[p]).wait()

    load_idx(0, base)
    load_idx(1, base + window)

    def step(j, carry):
      for p in (0, 1):
        off = base + (2 * j + p) * window

        @pl.when(j > 0)
        def _():
          wait_scat(p)
          load_idx(p, off)

        wait_idx(p)
        pltpu.async_copy(ones_v, acc_sh.at[didx[p]], ssem[p], add=True)
      return carry

    lax.fori_loop(0, nwin // 2, step, 0)
    wait_scat(0)
    wait_scat(1)
    plsc.subcore_barrier()
    pltpu.sync_copy(acc_sh.at[row], out_hbm.at[c, row])

  return pl.kernel(
      body,
      out_type=jax.ShapeDtypeStruct((NC, n_pad), jnp.float32),
      mesh=mesh,
      compiler_params=pltpu.CompilerParams(use_tc_tiling_on_sc=False),
      scratch_types=[
          pltpu.VMEM_SHARED((n_pad,), jnp.float32),
          pltpu.VMEM((window,), jnp.float32),
          pltpu.VMEM((window,), jnp.int32),
          pltpu.VMEM((window,), jnp.int32),
          pltpu.SemaphoreType.DMA,
          pltpu.SemaphoreType.DMA,
          pltpu.SemaphoreType.DMA,
          pltpu.SemaphoreType.DMA,
      ],
  )


def _sc_gs(n_pad, n_edges, window, fp):
  epw = n_edges // NW
  nwin = epw // window
  chunk = n_pad // NS
  shp = lambda m: (m, fp) if fp else (m,)
  mesh = plsc.VectorSubcoreMesh(core_axis_name="c", subcore_axis_name="s")

  def body(src_hbm, dst_hbm, zeros_hbm, tab_hbm, out_hbm,
           tab_sh, acc_sh, val0, val1, sidx0, sidx1, didx0, didx1,
           isem0, isem1, gsem0, gsem1, ssem0, ssem1):
    val = (val0, val1)
    sidx = (sidx0, sidx1)
    didx = (didx0, didx1)
    isem = (isem0, isem1)
    gsem = (gsem0, gsem1)
    ssem = (ssem0, ssem1)
    c = lax.axis_index("c")
    s = lax.axis_index("s")
    wid = c * NS + s
    base = wid * epw
    row = pl.ds(s * chunk, chunk)

    pltpu.sync_copy(tab_hbm.at[row], tab_sh.at[row])
    pltpu.sync_copy(zeros_hbm.at[row], acc_sh.at[row])
    plsc.subcore_barrier()

    def load_idx(p, off):
      pltpu.async_copy(src_hbm.at[pl.ds(off, window)], sidx[p], isem[p])
      pltpu.async_copy(dst_hbm.at[pl.ds(off, window)], didx[p], isem[p])

    def wait_idx(p):
      pltpu.make_async_copy(
          src_hbm.at[pl.ds(0, window)], sidx[p], isem[p]).wait()
      pltpu.make_async_copy(
          dst_hbm.at[pl.ds(0, window)], didx[p], isem[p]).wait()

    def wait_scat(p):
      pltpu.make_async_copy(val[p], acc_sh.at[didx[p]], ssem[p]).wait()

    load_idx(0, base)
    load_idx(1, base + window)

    def step(j, carry):
      for p in (0, 1):
        off = base + (2 * j + p) * window

        @pl.when(j > 0)
        def _():
          wait_scat(p)
          load_idx(p, off)

        wait_idx(p)
        pltpu.async_copy(tab_sh.at[sidx[p]], val[p], gsem[p]).wait()
        pltpu.async_copy(val[p], acc_sh.at[didx[p]], ssem[p], add=True)
      return carry

    lax.fori_loop(0, nwin // 2, step, 0)
    wait_scat(0)
    wait_scat(1)
    plsc.subcore_barrier()
    pltpu.sync_copy(acc_sh.at[row], out_hbm.at[c, row])

  return pl.kernel(
      body,
      out_type=jax.ShapeDtypeStruct((NC,) + shp(n_pad), jnp.float32),
      mesh=mesh,
      compiler_params=pltpu.CompilerParams(use_tc_tiling_on_sc=False),
      scratch_types=[
          pltpu.VMEM_SHARED(shp(n_pad), jnp.float32),
          pltpu.VMEM_SHARED(shp(n_pad), jnp.float32),
          pltpu.VMEM(shp(window), jnp.float32),
          pltpu.VMEM(shp(window), jnp.float32),
          pltpu.VMEM((window,), jnp.int32),
          pltpu.VMEM((window,), jnp.int32),
          pltpu.VMEM((window,), jnp.int32),
          pltpu.VMEM((window,), jnp.int32),
          pltpu.SemaphoreType.DMA,
          pltpu.SemaphoreType.DMA,
          pltpu.SemaphoreType.DMA,
          pltpu.SemaphoreType.DMA,
          pltpu.SemaphoreType.DMA,
          pltpu.SemaphoreType.DMA,
      ],
  )



_HI = lax.Precision.HIGHEST


def _tc_node1(degp_ref, x_ref, rep_ref, dis_ref, y1_ref):
  dis8 = lax.rsqrt(1.0 + degp_ref[0] + degp_ref[1])
  dis_ref[...] = dis8
  x_r = x_ref[...].astype(jnp.bfloat16).astype(jnp.float32)
  disr = jnp.dot(dis8, rep_ref[...], precision=_HI)
  y1_ref[...] = x_r * disr


def _tc_node2(accp_ref, y1_ref, dis_ref, rep_ref, b_ref, b1_ref, c_ref,
              y2_ref):
  dis8 = dis_ref[...]
  disr = jnp.dot(dis8, rep_ref[...], precision=_HI)
  p1 = disr * (accp_ref[0] + accp_ref[1] + y1_ref[...])
  h = jnp.dot(p1, b_ref[...], precision=_HI) + b1_ref[...]
  h = jnp.maximum(h, 0.0)
  h = h.astype(jnp.bfloat16).astype(jnp.float32)
  z = jnp.dot(h, c_ref[...], precision=_HI)
  y2_ref[...] = z * dis8


def _tc_node3(accp_ref, y2_ref, dis_ref, b2_ref, out_ref):
  out_ref[...] = dis_ref[...] * (accp_ref[0] + accp_ref[1] + y2_ref[...]) \
      + b2_ref[0]




def kernel(x, edge_index, W1, b1, W2, b2):
  n = x.shape[0]
  nf_in = x.shape[1]
  nf_hid = W1.shape[1]
  n_edges = edge_index.shape[1]
  window = 4000
  window_h = 4000
  window_r = 1000
  n_pad = 102400
  rows = n_pad // 128
  fp = 8
  g = n_pad // fp

  src = edge_index[0].astype(jnp.int32)
  dst = edge_index[1].astype(jnp.int32)
  W1r = jnp.zeros((fp, nf_hid), jnp.float32).at[:nf_in].set(
      W1.astype(jnp.bfloat16).astype(jnp.float32))
  W2r = W2.astype(jnp.bfloat16).astype(jnp.float32)
  eye8 = jnp.eye(fp, dtype=jnp.float32)
  rep_m = jnp.kron(eye8, jnp.ones((1, fp), jnp.float32))
  b_m = jnp.kron(eye8, W1r)
  c_m = jnp.kron(eye8, W2r)
  b1_t = jnp.tile(b1, fp).reshape(1, fp * nf_hid)
  zeros_n = jnp.zeros((n_pad,), jnp.float32)
  ones_w = jnp.ones((window_h,), jnp.float32)
  x_f = jnp.pad(x, ((0, n_pad - n), (0, fp - nf_in))).reshape(g, fp * fp)

  degp = _sc_hist(n_pad, n_edges, window_h)(dst, zeros_n, ones_w)

  gb = g // 4
  dis8, y1_f = pl.pallas_call(
      _tc_node1,
      grid=(4,),
      in_specs=[
          pl.BlockSpec((NC, gb, fp), lambda i: (0, i, 0)),
          pl.BlockSpec((gb, fp * fp), lambda i: (i, 0)),
          pl.BlockSpec((fp, fp * fp), lambda i: (0, 0)),
      ],
      out_specs=(
          pl.BlockSpec((gb, fp), lambda i: (i, 0)),
          pl.BlockSpec((gb, fp * fp), lambda i: (i, 0)),
      ),
      out_shape=(
          jax.ShapeDtypeStruct((g, fp), jnp.float32),
          jax.ShapeDtypeStruct((g, fp * fp), jnp.float32),
      ),
  )(degp.reshape(NC, g, fp), x_f, rep_m)

  zeros_nf = jnp.zeros((n_pad, fp), jnp.float32)
  acc1_rm = _sc_gs(n_pad, n_edges, window_r, fp)(
      src, dst, zeros_nf, y1_f.reshape(n_pad, fp))

  y2 = pl.pallas_call(
      _tc_node2,
      grid=(4,),
      in_specs=[
          pl.BlockSpec((NC, gb, fp * fp), lambda i: (0, i, 0)),
          pl.BlockSpec((gb, fp * fp), lambda i: (i, 0)),
          pl.BlockSpec((gb, fp), lambda i: (i, 0)),
          pl.BlockSpec((fp, fp * fp), lambda i: (0, 0)),
          pl.BlockSpec((fp * fp, fp * nf_hid), lambda i: (0, 0)),
          pl.BlockSpec((1, fp * nf_hid), lambda i: (0, 0)),
          pl.BlockSpec((fp * nf_hid, fp), lambda i: (0, 0)),
      ],
      out_specs=pl.BlockSpec((gb, fp), lambda i: (i, 0)),
      out_shape=jax.ShapeDtypeStruct((g, fp), jnp.float32),
  )(acc1_rm.reshape(NC, g, fp * fp), y1_f, dis8, rep_m, b_m, b1_t, c_m)

  acc2 = _sc_gs(n_pad, n_edges, window, 0)(
      src, dst, zeros_n, y2.reshape(n_pad))

  out = pl.pallas_call(
      _tc_node3,
      in_specs=[
          pl.BlockSpec(memory_space=pltpu.MemorySpace.VMEM),
          pl.BlockSpec(memory_space=pltpu.MemorySpace.VMEM),
          pl.BlockSpec(memory_space=pltpu.MemorySpace.VMEM),
          pl.BlockSpec(memory_space=pltpu.SMEM),
      ],
      out_shape=jax.ShapeDtypeStruct((rows, 128), jnp.float32),
  )(acc2.reshape(NC, rows, 128), y2.reshape(rows, 128), dis8.reshape(rows, 128), b2)

  return out.reshape(n_pad)[:n].reshape(n, 1)

# --- scband reference (transcript-rebuilt; emitter-appended) ---
"""Pipeline reference for scband-gcn-46145128628865 (READ-ONLY COPY).

The authoritative reference and input builder live on the scoring server;
editing this copy changes nothing except your own understanding.
"""

import jax, jax.numpy as jnp
import numpy as np

N_NODES = 100000
N_EDGES = 6400000


def _gcn_conv(x, edge_index, W, b, num_nodes):
    # PyG GCNConv: add self-loops, symmetric normalization D^-1/2 (A+I) D^-1/2 X W + b
    ar = jnp.arange(num_nodes, dtype=edge_index.dtype)
    src = jnp.concatenate([edge_index[0], ar])
    dst = jnp.concatenate([edge_index[1], ar])
    ones = jnp.ones(src.shape[0], dtype=x.dtype)
    deg = jax.ops.segment_sum(ones, dst, num_segments=num_nodes)
    deg_inv_sqrt = jnp.where(deg > 0, 1.0 / jnp.sqrt(deg), 0.0)
    norm = deg_inv_sqrt[src] * deg_inv_sqrt[dst]
    h = x @ W
    msgs = h[src] * norm[:, None]
    out = jax.ops.segment_sum(msgs, dst, num_segments=num_nodes)
    return out + b


def setup_inputs(seed: int = 0) -> dict:
    key = jax.random.key(seed)
    k1, k2, k3, k4, k5, k6 = jax.random.split(key, 6)
    x = jax.random.normal(k1, (N_NODES, 5), dtype=jnp.float32)
    edge_index = jax.random.randint(k2, (2, N_EDGES), 0, N_NODES, dtype=jnp.int64)
    # GCNConv(5, 16) params (glorot-ish init)
    W1 = jax.random.normal(k3, (5, 16), dtype=jnp.float32) * (1.0 / np.sqrt(5))
    b1 = jnp.zeros((16,), dtype=jnp.float32)
    # GCNConv(16, 1) params
    W2 = jax.random.normal(k4, (16, 1), dtype=jnp.float32) * (1.0 / np.sqrt(16))
    b2 = jnp.zeros((1,), dtype=jnp.float32)
    return {"x": x, "edge_index": edge_index, "W1": W1, "b1": b1, "W2": W2, "b2": b2}


def reference(x, edge_index, W1, b1, W2, b2):
    num_nodes = x.shape[0]
    h = _gcn_conv(x, edge_index, W1, b1, num_nodes)
    h = jax.nn.relu(h)
    out = _gcn_conv(h, edge_index, W2, b2, num_nodes)
    return out

if __name__ == "__main__":
    import jax
    _d = setup_inputs()
    print(jax.jit(kernel)(*tuple(_d.values())))

</pallas_src>

<mosaic_0001>
#map = affine_map<(d0, d1) -> (0)>
#map1 = affine_map<(d0, d1) -> (0, 0)>
module attributes {stable_mosaic.version = 14 : i64} {
  func.func @body(%arg0: i32, %arg1: i32, %arg2: memref<6400000xi32, #tpu.memory_space<hbm>>, %arg3: memref<102400xf32, #tpu.memory_space<hbm>>, %arg4: memref<4000xf32, #tpu.memory_space<hbm>>, %arg5: memref<2x102400xf32, #tpu.memory_space<hbm>>, %arg6: memref<102400xf32, #tpu.memory_space<vmem_shared>>, %arg7: memref<4000xf32, #tpu.memory_space<vmem>>, %arg8: memref<4000xi32, #tpu.memory_space<vmem>>, %arg9: memref<4000xi32, #tpu.memory_space<vmem>>, %arg10: memref<!tpu.dma_semaphore, #tpu.memory_space<semaphore_mem>>, %arg11: memref<!tpu.dma_semaphore, #tpu.memory_space<semaphore_mem>>, %arg12: memref<!tpu.dma_semaphore, #tpu.memory_space<semaphore_mem>>, %arg13: memref<!tpu.dma_semaphore, #tpu.memory_space<semaphore_mem>>) attributes {dimension_semantics = [#tpu.dimension_semantics<core_parallel>, #tpu.dimension_semantics<subcore_parallel>], iteration_bounds = array<i64: 2, 16>, scalar_prefetch = 0 : i64, scratch_operands = 8 : i64, tpu.core_type = #tpu.core_type<sc_vector_subcore>, window_params = [{transform_indices = #map}, {transform_indices = #map}, {transform_indices = #map}, {transform_indices = #map1}]} {
    %mul3A = arith.constant 16 : i32
    %mul3A_0 = arith.muli %arg0, %mul3A : i32
    %add3A = arith.addi %mul3A_0, %arg1 : i32
    %mul3A_1 = arith.constant 200000 : i32
    %mul3A_2 = arith.muli %add3A, %mul3A_1 : i32
    %mul3A_3 = arith.constant 6400 : i32
    %mul3A_4 = arith.muli %arg1, %mul3A_3 : i32
    "tpu.region"() ({
      %run_scoped3A = tpu.sem_alloc : memref<!tpu.dma_semaphore, #tpu.memory_space<semaphore_mem>>
      %dma_start3A_19 = tpu.memref_slice %arg6[%mul3A_4] : memref<102400xf32, #tpu.memory_space<vmem_shared>> -> memref<6400xf32, #tpu.memory_space<vmem_shared>>
      %dma_start3A_20 = tpu.memref_slice %arg3[%mul3A_4] : memref<102400xf32, #tpu.memory_space<hbm>> -> memref<6400xf32, #tpu.memory_space<hbm>>
      tpu.enqueue_dma source(%dma_start3A_20 : memref<6400xf32, #tpu.memory_space<hbm>>) target(%dma_start3A_19 : memref<6400xf32, #tpu.memory_space<vmem_shared>>) target_semaphore(%run_scoped3A : memref<!tpu.dma_semaphore, #tpu.memory_space<semaphore_mem>>)
      %dma_wait3A_21 = tpu.memref_slice %arg6[%mul3A_4] : memref<102400xf32, #tpu.memory_space<vmem_shared>> -> memref<6400xf32, #tpu.memory_space<vmem_shared>>
      %dma_wait3A_22 = tpu.memref_slice %arg3[%mul3A_4] : memref<102400xf32, #tpu.memory_space<hbm>> -> memref<6400xf32, #tpu.memory_space<hbm>>
      tpu.wait_dma2 semaphore(%run_scoped3A : memref<!tpu.dma_semaphore, #tpu.memory_space<semaphore_mem>>) src(%dma_wait3A_22 : memref<6400xf32, #tpu.memory_space<hbm>>) dst(%dma_wait3A_21 : memref<6400xf32, #tpu.memory_space<vmem_shared>>)
      tpu.yield
    }) : () -> ()
    "tpu.region"() ({
      %run_scoped3A = tpu.sem_alloc : memref<!tpu.dma_semaphore, #tpu.memory_space<semaphore_mem>>
      tpu.enqueue_dma source(%arg4 : memref<4000xf32, #tpu.memory_space<hbm>>) target(%arg7 : memref<4000xf32, #tpu.memory_space<vmem>>) target_semaphore(%run_scoped3A : memref<!tpu.dma_semaphore, #tpu.memory_space<semaphore_mem>>)
      tpu.wait_dma2 semaphore(%run_scoped3A : memref<!tpu.dma_semaphore, #tpu.memory_space<semaphore_mem>>) src(%arg4 : memref<4000xf32, #tpu.memory_space<hbm>>) dst(%arg7 : memref<4000xf32, #tpu.memory_space<vmem>>)
      tpu.yield
    }) : () -> ()
    %barrier3A = arith.constant 0 : index
    tpu.barrier barrier_id(%barrier3A)
    %dma_start3A = tpu.memref_slice %arg2[%mul3A_2] : memref<6400000xi32, #tpu.memory_space<hbm>> -> memref<4000xi32, #tpu.memory_space<hbm>>
    %dma_start3A_5 = tpu.memref_slice %arg2[%mul3A_2] : memref<6400000xi32, #tpu.memory_space<hbm>> -> memref<4000xi32, #tpu.memory_space<hbm>>
    tpu.enqueue_dma source(%dma_start3A_5 : memref<4000xi32, #tpu.memory_space<hbm>>) target(%arg8 : memref<4000xi32, #tpu.memory_space<vmem>>) target_semaphore(%arg10 : memref<!tpu.dma_semaphore, #tpu.memory_space<semaphore_mem>>)
    %add3A_6 = arith.constant 4000 : i32
    %add3A_7 = arith.addi %mul3A_2, %add3A_6 : i32
    %dma_start3A_8 = tpu.memref_slice %arg2[%add3A_7] : memref<6400000xi32, #tpu.memory_space<hbm>> -> memref<4000xi32, #tpu.memory_space<hbm>>
    %dma_start3A_9 = tpu.memref_slice %arg2[%add3A_7] : memref<6400000xi32, #tpu.memory_space<hbm>> -> memref<4000xi32, #tpu.memory_space<hbm>>
    tpu.enqueue_dma source(%dma_start3A_9 : memref<4000xi32, #tpu.memory_space<hbm>>) target(%arg9 : memref<4000xi32, #tpu.memory_space<vmem>>) target_semaphore(%arg11 : memref<!tpu.dma_semaphore, #tpu.memory_space<semaphore_mem>>)
    %scan3A = arith.constant 0 : i32
    %scan3A_10 = arith.constant 0 : i32
    %scan3A_11 = arith.constant 25 : i32
    %scan3A_12 = arith.addi %scan3A_10, %scan3A_11 : i32
    %scan3A_13 = arith.constant 1 : i32
    scf.for %scan3A_19 = %scan3A_10 to %scan3A_12 step %scan3A_13  : i32 {
      %mul3A_20 = arith.constant 2 : i32
      %mul3A_21 = arith.muli %mul3A_20, %scan3A_19 : i32
      %add3A_22 = arith.constant 0 : i32
      %add3A_23 = arith.addi %mul3A_21, %add3A_22 : i32
      %mul3A_24 = arith.constant 4000 : i32
      %mul3A_25 = arith.muli %add3A_23, %mul3A_24 : i32
      %add3A_26 = arith.addi %mul3A_2, %mul3A_25 : i32
      %gt3A = arith.constant 0 : i32
      %gt3A_27 = arith.cmpi sgt, %scan3A_19, %gt3A : i32
      %convert_element_type3A = arith.extui %gt3A_27 : i1 to i32
      %cond3A = arith.constant 0 : i32
      %cond3A_28 = arith.cmpi ne, %convert_element_type3A, %cond3A : i32
      scf.if %cond3A_28 {
        %dma_wait3A_53 = arith.constant 0 : i32
        %dma_wait3A_54 = tpu.memref_slice %arg6[%dma_wait3A_53] : memref<102400xf32, #tpu.memory_space<vmem_shared>> -> memref<102400xf32, #tpu.memory_space<vmem_shared>>
        tpu.wait_indirect_dma semaphore(%arg12 : memref<!tpu.dma_semaphore, #tpu.memory_space<semaphore_mem>>) src(%arg7 : memref<4000xf32, #tpu.memory_space<vmem>>) dst(%dma_wait3A_54 : memref<102400xf32, #tpu.memory_space<vmem_shared>>)
        %dma_start3A_55 = tpu.memref_slice %arg2[%add3A_26] : memref<6400000xi32, #tpu.memory_space<hbm>> -> memref<4000xi32, #tpu.memory_space<hbm>>
        %dma_start3A_56 = tpu.memref_slice %arg2[%add3A_26] : memref<6400000xi32, #tpu.memory_space<hbm>> -> memref<4000xi32, #tpu.memory_space<hbm>>
        tpu.enqueue_dma source(%dma_start3A_56 : memref<4000xi32, #tpu.memory_space<hbm>>) target(%arg8 : memref<4000xi32, #tpu.memory_space<vmem>>) target_semaphore(%arg10 : memref<!tpu.dma_semaphore, #tpu.memory_space<semaphore_mem>>)
      } else {
      }
      %dma_wait3A_29 = arith.constant 0 : i32
      %dma_wait3A_30 = tpu.memref_slice %arg2[%dma_wait3A_29] : memref<6400000xi32, #tpu.memory_space<hbm>> -> memref<4000xi32, #tpu.memory_space<hbm>>
      %dma_wait3A_31 = arith.constant 0 : i32
      %dma_wait3A_32 = tpu.memref_slice %arg2[%dma_wait3A_31] : memref<6400000xi32, #tpu.memory_space<hbm>> -> memref<4000xi32, #tpu.memory_space<hbm>>
      tpu.wait_dma2 semaphore(%arg10 : memref<!tpu.dma_semaphore, #tpu.memory_space<semaphore_mem>>) src(%dma_wait3A_32 : memref<4000xi32, #tpu.memory_space<hbm>>) dst(%arg8 : memref<4000xi32, #tpu.memory_space<vmem>>)
      %dma_start3A_33 = arith.constant 0 : i32
      %dma_start3A_34 = tpu.memref_slice %arg6[%dma_start3A_33] : memref<102400xf32, #tpu.memory_space<vmem_shared>> -> memref<102400xf32, #tpu.memory_space<vmem_shared>>
      tpu.enqueue_indirect_dma source(%arg7 : memref<4000xf32, #tpu.memory_space<vmem>>) target(%dma_start3A_34 : memref<102400xf32, #tpu.memory_space<vmem_shared>>) offsets(%arg8 : memref<4000xi32, #tpu.memory_space<vmem>>) semaphore(%arg12 : memref<!tpu.dma_semaphore, #tpu.memory_space<semaphore_mem>>) {add = true}
      %mul3A_35 = arith.constant 2 : i32
      %mul3A_36 = arith.muli %mul3A_35, %scan3A_19 : i32
      %add3A_37 = arith.constant 1 : i32
      %add3A_38 = arith.addi %mul3A_36, %add3A_37 : i32
      %mul3A_39 = arith.constant 4000 : i32
      %mul3A_40 = arith.muli %add3A_38, %mul3A_39 : i32
      %add3A_41 = arith.addi %mul3A_2, %mul3A_40 : i32
      %gt3A_42 = arith.constant 0 : i32
      %gt3A_43 = arith.cmpi sgt, %scan3A_19, %gt3A_42 : i32
      %convert_element_type3A_44 = arith.extui %gt3A_43 : i1 to i32
      %cond3A_45 = arith.constant 0 : i32
      %cond3A_46 = arith.cmpi ne, %convert_element_type3A_44, %cond3A_45 : i32
      scf.if %cond3A_46 {
        %dma_wait3A_53 = arith.constant 0 : i32
        %dma_wait3A_54 = tpu.memref_slice %arg6[%dma_wait3A_53] : memref<102400xf32, #tpu.memory_space<vmem_shared>> -> memref<102400xf32, #tpu.memory_space<vmem_shared>>
        tpu.wait_indirect_dma semaphore(%arg13 : memref<!tpu.dma_semaphore, #tpu.memory_space<semaphore_mem>>) src(%arg7 : memref<4000xf32, #tpu.memory_space<vmem>>) dst(%dma_wait3A_54 : memref<102400xf32, #tpu.memory_space<vmem_shared>>)
        %dma_start3A_55 = tpu.memref_slice %arg2[%add3A_41] : memref<6400000xi32, #tpu.memory_space<hbm>> -> memref<4000xi32, #tpu.memory_space<hbm>>
        %dma_start3A_56 = tpu.memref_slice %arg2[%add3A_41] : memref<6400000xi32, #tpu.memory_space<hbm>> -> memref<4000xi32, #tpu.memory_space<hbm>>
        tpu.enqueue_dma source(%dma_start3A_56 : memref<4000xi32, #tpu.memory_space<hbm>>) target(%arg9 : memref<4000xi32, #tpu.memory_space<vmem>>) target_semaphore(%arg11 : memref<!tpu.dma_semaphore, #tpu.memory_space<semaphore_mem>>)
      } else {
      }
      %dma_wait3A_47 = arith.constant 0 : i32
      %dma_wait3A_48 = tpu.memref_slice %arg2[%dma_wait3A_47] : memref<6400000xi32, #tpu.memory_space<hbm>> -> memref<4000xi32, #tpu.memory_space<hbm>>
      %dma_wait3A_49 = arith.constant 0 : i32
      %dma_wait3A_50 = tpu.memref_slice %arg2[%dma_wait3A_49] : memref<6400000xi32, #tpu.memory_space<hbm>> -> memref<4000xi32, #tpu.memory_space<hbm>>
      tpu.wait_dma2 semaphore(%arg11 : memref<!tpu.dma_semaphore, #tpu.memory_space<semaphore_mem>>) src(%dma_wait3A_50 : memref<4000xi32, #tpu.memory_space<hbm>>) dst(%arg9 : memref<4000xi32, #tpu.memory_space<vmem>>)
      %dma_start3A_51 = arith.constant 0 : i32
      %dma_start3A_52 = tpu.memref_slice %arg6[%dma_start3A_51] : memref<102400xf32, #tpu.memory_space<vmem_shared>> -> memref<102400xf32, #tpu.memory_space<vmem_shared>>
      tpu.enqueue_indirect_dma source(%arg7 : memref<4000xf32, #tpu.memory_space<vmem>>) target(%dma_start3A_52 : memref<102400xf32, #tpu.memory_space<vmem_shared>>) offsets(%arg9 : memref<4000xi32, #tpu.memory_space<vmem>>) semaphore(%arg13 : memref<!tpu.dma_semaphore, #tpu.memory_space<semaphore_mem>>) {add = true}
    }
    %scan3A_14 = arith.constant 25 : i32
    %dma_wait3A = arith.constant 0 : i32
    %dma_wait3A_15 = tpu.memref_slice %arg6[%dma_wait3A] : memref<102400xf32, #tpu.memory_space<vmem_shared>> -> memref<102400xf32, #tpu.memory_space<vmem_shared>>
    tpu.wait_indirect_dma semaphore(%arg12 : memref<!tpu.dma_semaphore, #tpu.memory_space<semaphore_mem>>) src(%arg7 : memref<4000xf32, #tpu.memory_space<vmem>>) dst(%dma_wait3A_15 : memref<102400xf32, #tpu.memory_space<vmem_shared>>)
    %dma_wait3A_16 = arith.constant 0 : i32
    %dma_wait3A_17 = tpu.memref_slice %arg6[%dma_wait3A_16] : memref<102400xf32, #tpu.memory_space<vmem_shared>> -> memref<102400xf32, #tpu.memory_space<vmem_shared>>
    tpu.wait_indirect_dma semaphore(%arg13 : memref<!tpu.dma_semaphore, #tpu.memory_space<semaphore_mem>>) src(%arg7 : memref<4000xf32, #tpu.memory_space<vmem>>) dst(%dma_wait3A_17 : memref<102400xf32, #tpu.memory_space<vmem_shared>>)
    %barrier3A_18 = arith.constant 0 : index
    tpu.barrier barrier_id(%barrier3A_18)
    "tpu.region"() ({
      %run_scoped3A = tpu.sem_alloc : memref<!tpu.dma_semaphore, #tpu.memory_space<semaphore_mem>>
      %dma_start3A_19 = tpu.memref_slice %arg5[%arg0, %mul3A_4] : memref<2x102400xf32, #tpu.memory_space<hbm>> -> memref<1x6400xf32, #tpu.memory_space<hbm>>
      %dma_start3A_20 = tpu.memref_squeeze %dma_start3A_19 : memref<1x6400xf32, #tpu.memory_space<hbm>> -> memref<6400xf32, #tpu.memory_space<hbm>>
      %dma_start3A_21 = tpu.memref_slice %arg6[%mul3A_4] : memref<102400xf32, #tpu.memory_space<vmem_shared>> -> memref<6400xf32, #tpu.memory_space<vmem_shared>>
      tpu.enqueue_dma source(%dma_start3A_21 : memref<6400xf32, #tpu.memory_space<vmem_shared>>) target(%dma_start3A_20 : memref<6400xf32, #tpu.memory_space<hbm>>) target_semaphore(%run_scoped3A : memref<!tpu.dma_semaphore, #tpu.memory_space<semaphore_mem>>)
      %dma_wait3A_22 = tpu.memref_slice %arg5[%arg0, %mul3A_4] : memref<2x102400xf32, #tpu.memory_space<hbm>> -> memref<1x6400xf32, #tpu.memory_space<hbm>>
      %dma_wait3A_23 = tpu.memref_squeeze %dma_wait3A_22 : memref<1x6400xf32, #tpu.memory_space<hbm>> -> memref<6400xf32, #tpu.memory_space<hbm>>
      %dma_wait3A_24 = tpu.memref_slice %arg6[%mul3A_4] : memref<102400xf32, #tpu.memory_space<vmem_shared>> -> memref<6400xf32, #tpu.memory_space<vmem_shared>>
      tpu.wait_dma2 semaphore(%run_scoped3A : memref<!tpu.dma_semaphore, #tpu.memory_space<semaphore_mem>>) src(%dma_wait3A_24 : memref<6400xf32, #tpu.memory_space<vmem_shared>>) dst(%dma_wait3A_23 : memref<6400xf32, #tpu.memory_space<hbm>>)
      tpu.yield
    }) : () -> ()
    return
  }
}

#map = affine_map<(d0, d1) -> (0)>
#map1 = affine_map<(d0, d1) -> (0, 0)>
module attributes {stable_mosaic.version = 14 : i64} {
  func.func @body(%arg0: i32, %arg1: i32, %arg2: memref<6400000xi32, #tpu.memory_space<hbm>>, %arg3: memref<6400000xi32, #tpu.memory_space<hbm>>, %arg4: memref<102400xf32, #tpu.memory_space<hbm>>, %arg5: memref<102400xf32, #tpu.memory_space<hbm>>, %arg6: memref<2x102400xf32, #tpu.memory_space<hbm>>, %arg7: memref<102400xf32, #tpu.memory_space<vmem_shared>>, %arg8: memref<102400xf32, #tpu.memory_space<vmem_shared>>, %arg9: memref<4000xf32, #tpu.memory_space<vmem>>, %arg10: memref<4000xf32, #tpu.memory_space<vmem>>, %arg11: memref<4000xi32, #tpu.memory_space<vmem>>, %arg12: memref<4000xi32, #tpu.memory_space<vmem>>, %arg13: memref<4000xi32, #tpu.memory_space<vmem>>, %arg14: memref<4000xi32, #tpu.memory_space<vmem>>, %arg15: memref<!tpu.dma_semaphore, #tpu.memory_space<semaphore_mem>>, %arg16: memref<!tpu.dma_semaphore, #tpu.memory_space<semaphore_mem>>, %arg17: memref<!tpu.dma_semaphore, #tpu.memory_space<semaphore_mem>>, %arg18: memref<!tpu.dma_semaphore, #tpu.memory_space<semaphore_mem>>, %arg19: memref<!tpu.dma_semaphore, #tpu.memory_space<semaphore_mem>>, %arg20: memref<!tpu.dma_semaphore, #tpu.memory_space<semaphore_mem>>) attributes {dimension_semantics = [#tpu.dimension_semantics<core_parallel>, #tpu.dimension_semantics<subcore_parallel>], iteration_bounds = array<i64: 2, 16>, scalar_prefetch = 0 : i64, scratch_operands = 14 : i64, tpu.core_type = #tpu.core_type<sc_vector_subcore>, window_params = [{transform_indices = #map}, {transform_indices = #map}, {transform_indices = #map}, {transform_indices = #map}, {transform_indices = #map1}]} {
    %mul3A = arith.constant 16 : i32
    %mul3A_0 = arith.muli %arg0, %mul3A : i32
    %add3A = arith.addi %mul3A_0, %arg1 : i32
    %mul3A_1 = arith.constant 200000 : i32
    %mul3A_2 = arith.muli %add3A, %mul3A_1 : i32
    %mul3A_3 = arith.constant 6400 : i32
    %mul3A_4 = arith.muli %arg1, %mul3A_3 : i32
    "tpu.region"() ({
      %run_scoped3A = tpu.sem_alloc : memref<!tpu.dma_semaphore, #tpu.memory_space<semaphore_mem>>
      %dma_start3A_23 = tpu.memref_slice %arg7[%mul3A_4] : memref<102400xf32, #tpu.memory_space<vmem_shared>> -> memref<6400xf32, #tpu.memory_space<vmem_shared>>
      %dma_start3A_24 = tpu.memref_slice %arg5[%mul3A_4] : memref<102400xf32, #tpu.memory_space<hbm>> -> memref<6400xf32, #tpu.memory_space<hbm>>
      tpu.enqueue_dma source(%dma_start3A_24 : memref<6400xf32, #tpu.memory_space<hbm>>) target(%dma_start3A_23 : memref<6400xf32, #tpu.memory_space<vmem_shared>>) target_semaphore(%run_scoped3A : memref<!tpu.dma_semaphore, #tpu.memory_space<semaphore_mem>>)
      %dma_wait3A_25 = tpu.memref_slice %arg7[%mul3A_4] : memref<102400xf32, #tpu.memory_space<vmem_shared>> -> memref<6400xf32, #tpu.memory_space<vmem_shared>>
      %dma_wait3A_26 = tpu.memref_slice %arg5[%mul3A_4] : memref<102400xf32, #tpu.memory_space<hbm>> -> memref<6400xf32, #tpu.memory_space<hbm>>
      tpu.wait_dma2 semaphore(%run_scoped3A : memref<!tpu.dma_semaphore, #tpu.memory_space<semaphore_mem>>) src(%dma_wait3A_26 : memref<6400xf32, #tpu.memory_space<hbm>>) dst(%dma_wait3A_25 : memref<6400xf32, #tpu.memory_space<vmem_shared>>)
      tpu.yield
    }) : () -> ()
    "tpu.region"() ({
      %run_scoped3A = tpu.sem_alloc : memref<!tpu.dma_semaphore, #tpu.memory_space<semaphore_mem>>
      %dma_start3A_23 = tpu.memref_slice %arg8[%mul3A_4] : memref<102400xf32, #tpu.memory_space<vmem_shared>> -> memref<6400xf32, #tpu.memory_space<vmem_shared>>
      %dma_start3A_24 = tpu.memref_slice %arg4[%mul3A_4] : memref<102400xf32, #tpu.memory_space<hbm>> -> memref<6400xf32, #tpu.memory_space<hbm>>
      tpu.enqueue_dma source(%dma_start3A_24 : memref<6400xf32, #tpu.memory_space<hbm>>) target(%dma_start3A_23 : memref<6400xf32, #tpu.memory_space<vmem_shared>>) target_semaphore(%run_scoped3A : memref<!tpu.dma_semaphore, #tpu.memory_space<semaphore_mem>>)
      %dma_wait3A_25 = tpu.memref_slice %arg8[%mul3A_4] : memref<102400xf32, #tpu.memory_space<vmem_shared>> -> memref<6400xf32, #tpu.memory_space<vmem_shared>>
      %dma_wait3A_26 = tpu.memref_slice %arg4[%mul3A_4] : memref<102400xf32, #tpu.memory_space<hbm>> -> memref<6400xf32, #tpu.memory_space<hbm>>
      tpu.wait_dma2 semaphore(%run_scoped3A : memref<!tpu.dma_semaphore, #tpu.memory_space<semaphore_mem>>) src(%dma_wait3A_26 : memref<6400xf32, #tpu.memory_space<hbm>>) dst(%dma_wait3A_25 : memref<6400xf32, #tpu.memory_space<vmem_shared>>)
      tpu.yield
    }) : () -> ()
    %barrier3A = arith.constant 0 : index
    tpu.barrier barrier_id(%barrier3A)
    %dma_start3A = tpu.memref_slice %arg2[%mul3A_2] : memref<6400000xi32, #tpu.memory_space<hbm>> -> memref<4000xi32, #tpu.memory_space<hbm>>
    %dma_start3A_5 = tpu.memref_slice %arg2[%mul3A_2] : memref<6400000xi32, #tpu.memory_space<hbm>> -> memref<4000xi32, #tpu.memory_space<hbm>>
    tpu.enqueue_dma source(%dma_start3A_5 : memref<4000xi32, #tpu.memory_space<hbm>>) target(%arg11 : memref<4000xi32, #tpu.memory_space<vmem>>) target_semaphore(%arg15 : memref<!tpu.dma_semaphore, #tpu.memory_space<semaphore_mem>>)
    %dma_start3A_6 = tpu.memref_slice %arg3[%mul3A_2] : memref<6400000xi32, #tpu.memory_space<hbm>> -> memref<4000xi32, #tpu.memory_space<hbm>>
    %dma_start3A_7 = tpu.memref_slice %arg3[%mul3A_2] : memref<6400000xi32, #tpu.memory_space<hbm>> -> memref<4000xi32, #tpu.memory_space<hbm>>
    tpu.enqueue_dma source(%dma_start3A_7 : memref<4000xi32, #tpu.memory_space<hbm>>) target(%arg13 : memref<4000xi32, #tpu.memory_space<vmem>>) target_semaphore(%arg15 : memref<!tpu.dma_semaphore, #tpu.memory_space<semaphore_mem>>)
    %add3A_8 = arith.constant 4000 : i32
    %add3A_9 = arith.addi %mul3A_2, %add3A_8 : i32
    %dma_start3A_10 = tpu.memref_slice %arg2[%add3A_9] : memref<6400000xi32, #tpu.memory_space<hbm>> -> memref<4000xi32, #tpu.memory_space<hbm>>
    %dma_start3A_11 = tpu.memref_slice %arg2[%add3A_9] : memref<6400000xi32, #tpu.memory_space<hbm>> -> memref<4000xi32, #tpu.memory_space<hbm>>
    tpu.enqueue_dma source(%dma_start3A_11 : memref<4000xi32, #tpu.memory_space<hbm>>) target(%arg12 : memref<4000xi32, #tpu.memory_space<vmem>>) target_semaphore(%arg16 : memref<!tpu.dma_semaphore, #tpu.memory_space<semaphore_mem>>)
    %dma_start3A_12 = tpu.memref_slice %arg3[%add3A_9] : memref<6400000xi32, #tpu.memory_space<hbm>> -> memref<4000xi32, #tpu.memory_space<hbm>>
    %dma_start3A_13 = tpu.memref_slice %arg3[%add3A_9] : memref<6400000xi32, #tpu.memory_space<hbm>> -> memref<4000xi32, #tpu.memory_space<hbm>>
    tpu.enqueue_dma source(%dma_start3A_13 : memref<4000xi32, #tpu.memory_space<hbm>>) target(%arg14 : memref<4000xi32, #tpu.memory_space<vmem>>) target_semaphore(%arg16 : memref<!tpu.dma_semaphore, #tpu.memory_space<semaphore_mem>>)
    %scan3A = arith.constant 0 : i32
    %scan3A_14 = arith.constant 0 : i32
    %scan3A_15 = arith.constant 25 : i32
    %scan3A_16 = arith.addi %scan3A_14, %scan3A_15 : i32
    %scan3A_17 = arith.constant 1 : i32
    scf.for %scan3A_23 = %scan3A_14 to %scan3A_16 step %scan3A_17  : i32 {
      %mul3A_24 = arith.constant 2 : i32
      %mul3A_25 = arith.muli %mul3A_24, %scan3A_23 : i32
      %add3A_26 = arith.constant 0 : i32
      %add3A_27 = arith.addi %mul3A_25, %add3A_26 : i32
      %mul3A_28 = arith.constant 4000 : i32
      %mul3A_29 = arith.muli %add3A_27, %mul3A_28 : i32
      %add3A_30 = arith.addi %mul3A_2, %mul3A_29 : i32
      %gt3A = arith.constant 0 : i32
      %gt3A_31 = arith.cmpi sgt, %scan3A_23, %gt3A : i32
      %convert_element_type3A = arith.extui %gt3A_31 : i1 to i32
      %cond3A = arith.constant 0 : i32
      %cond3A_32 = arith.cmpi ne, %convert_element_type3A, %cond3A : i32
      scf.if %cond3A_32 {
        %dma_wait3A_73 = arith.constant 0 : i32
        %dma_wait3A_74 = tpu.memref_slice %arg8[%dma_wait3A_73] : memref<102400xf32, #tpu.memory_space<vmem_shared>> -> memref<102400xf32, #tpu.memory_space<vmem_shared>>
        tpu.wait_indirect_dma semaphore(%arg19 : memref<!tpu.dma_semaphore, #tpu.memory_space<semaphore_mem>>) src(%arg9 : memref<4000xf32, #tpu.memory_space<vmem>>) dst(%dma_wait3A_74 : memref<102400xf32, #tpu.memory_space<vmem_shared>>)
        %dma_start3A_75 = tpu.memref_slice %arg2[%add3A_30] : memref<6400000xi32, #tpu.memory_space<hbm>> -> memref<4000xi32, #tpu.memory_space<hbm>>
        %dma_start3A_76 = tpu.memref_slice %arg2[%add3A_30] : memref<6400000xi32, #tpu.memory_space<hbm>> -> memref<4000xi32, #tpu.memory_space<hbm>>
        tpu.enqueue_dma source(%dma_start3A_76 : memref<4000xi32, #tpu.memory_space<hbm>>) target(%arg11 : memref<4000xi32, #tpu.memory_space<vmem>>) target_semaphore(%arg15 : memref<!tpu.dma_semaphore, #tpu.memory_space<semaphore_mem>>)
        %dma_start3A_77 = tpu.memref_slice %arg3[%add3A_30] : memref<6400000xi32, #tpu.memory_space<hbm>> -> memref<4000xi32, #tpu.memory_space<hbm>>
        %dma_start3A_78 = tpu.memref_slice %arg3[%add3A_30] : memref<6400000xi32, #tpu.memory_space<hbm>> -> memref<4000xi32, #tpu.memory_space<hbm>>
        tpu.enqueue_dma source(%dma_start3A_78 : memref<4000xi32, #tpu.memory_space<hbm>>) target(%arg13 : memref<4000xi32, #tpu.memory_space<vmem>>) target_semaphore(%arg15 : memref<!tpu.dma_semaphore, #tpu.memory_space<semaphore_mem>>)
      } else {
      }
      %dma_wait3A_33 = arith.constant 0 : i32
      %dma_wait3A_34 = tpu.memref_slice %arg2[%dma_wait3A_33] : memref<6400000xi32, #tpu.memory_space<hbm>> -> memref<4000xi32, #tpu.memory_space<hbm>>
      %dma_wait3A_35 = arith.constant 0 : i32
      %dma_wait3A_36 = tpu.memref_slice %arg2[%dma_wait3A_35] : memref<6400000xi32, #tpu.memory_space<hbm>> -> memref<4000xi32, #tpu.memory_space<hbm>>
      tpu.wait_dma2 semaphore(%arg15 : memref<!tpu.dma_semaphore, #tpu.memory_space<semaphore_mem>>) src(%dma_wait3A_36 : memref<4000xi32, #tpu.memory_space<hbm>>) dst(%arg11 : memref<4000xi32, #tpu.memory_space<vmem>>)
      %dma_wait3A_37 = arith.constant 0 : i32
      %dma_wait3A_38 = tpu.memref_slice %arg3[%dma_wait3A_37] : memref<6400000xi32, #tpu.memory_space<hbm>> -> memref<4000xi32, #tpu.memory_space<hbm>>
      %dma_wait3A_39 = arith.constant 0 : i32
      %dma_wait3A_40 = tpu.memref_slice %arg3[%dma_wait3A_39] : memref<6400000xi32, #tpu.memory_space<hbm>> -> memref<4000xi32, #tpu.memory_space<hbm>>
      tpu.wait_dma2 semaphore(%arg15 : memref<!tpu.dma_semaphore, #tpu.memory_space<semaphore_mem>>) src(%dma_wait3A_40 : memref<4000xi32, #tpu.memory_space<hbm>>) dst(%arg13 : memref<4000xi32, #tpu.memory_space<vmem>>)
      %dma_start3A_41 = arith.constant 0 : i32
      %dma_start3A_42 = tpu.memref_slice %arg7[%dma_start3A_41] : memref<102400xf32, #tpu.memory_space<vmem_shared>> -> memref<102400xf32, #tpu.memory_space<vmem_shared>>
      tpu.enqueue_indirect_dma source(%dma_start3A_42 : memref<102400xf32, #tpu.memory_space<vmem_shared>>) target(%arg9 : memref<4000xf32, #tpu.memory_space<vmem>>) offsets(%arg11 : memref<4000xi32, #tpu.memory_space<vmem>>) semaphore(%arg17 : memref<!tpu.dma_semaphore, #tpu.memory_space<semaphore_mem>>)
      %dma_wait3A_43 = arith.constant 0 : i32
      %dma_wait3A_44 = tpu.memref_slice %arg7[%dma_wait3A_43] : memref<102400xf32, #tpu.memory_space<vmem_shared>> -> memref<102400xf32, #tpu.memory_space<vmem_shared>>
      tpu.wait_indirect_dma semaphore(%arg17 : memref<!tpu.dma_semaphore, #tpu.memory_space<semaphore_mem>>) src(%dma_wait3A_44 : memref<102400xf32, #tpu.memory_space<vmem_shared>>) dst(%arg9 : memref<4000xf32, #tpu.memory_space<vmem>>)
      %dma_start3A_45 = arith.constant 0 : i32
      %dma_start3A_46 = tpu.memref_slice %arg8[%dma_start3A_45] : memref<102400xf32, #tpu.memory_space<vmem_shared>> -> memref<102400xf32, #tpu.memory_space<vmem_shared>>
      tpu.enqueue_indirect_dma source(%arg9 : memref<4000xf32, #tpu.memory_space<vmem>>) target(%dma_start3A_46 : memref<102400xf32, #tpu.memory_space<vmem_shared>>) offsets(%arg13 : memref<4000xi32, #tpu.memory_space<vmem>>) semaphore(%arg19 : memref<!tpu.dma_semaphore, #tpu.memory_space<semaphore_mem>>) {add = true}
      %mul3A_47 = arith.constant 2 : i32
      %mul3A_48 = arith.muli %mul3A_47, %scan3A_23 : i32
      %add3A_49 = arith.constant 1 : i32
      %add3A_50 = arith.addi %mul3A_48, %add3A_49 : i32
      %mul3A_51 = arith.constant 4000 : i32
      %mul3A_52 = arith.muli %add3A_50, %mul3A_51 : i32
      %add3A_53 = arith.addi %mul3A_2, %mul3A_52 : i32
      %gt3A_54 = arith.constant 0 : i32
      %gt3A_55 = arith.cmpi sgt, %scan3A_23, %gt3A_54 : i32
      %convert_element_type3A_56 = arith.extui %gt3A_55 : i1 to i32
      %cond3A_57 = arith.constant 0 : i32
      %cond3A_58 = arith.cmpi ne, %convert_element_type3A_56, %cond3A_57 : i32
      scf.if %cond3A_58 {
        %dma_wait3A_73 = arith.constant 0 : i32
        %dma_wait3A_74 = tpu.memref_slice %arg8[%dma_wait3A_73] : memref<102400xf32, #tpu.memory_space<vmem_shared>> -> memref<102400xf32, #tpu.memory_space<vmem_shared>>
        tpu.wait_indirect_dma semaphore(%arg20 : memref<!tpu.dma_semaphore, #tpu.memory_space<semaphore_mem>>) src(%arg10 : memref<4000xf32, #tpu.memory_space<vmem>>) dst(%dma_wait3A_74 : memref<102400xf32, #tpu.memory_space<vmem_shared>>)
        %dma_start3A_75 = tpu.memref_slice %arg2[%add3A_53] : memref<6400000xi32, #tpu.memory_space<hbm>> -> memref<4000xi32, #tpu.memory_space<hbm>>
        %dma_start3A_76 = tpu.memref_slice %arg2[%add3A_53] : memref<6400000xi32, #tpu.memory_space<hbm>> -> memref<4000xi32, #tpu.memory_space<hbm>>
        tpu.enqueue_dma source(%dma_start3A_76 : memref<4000xi32, #tpu.memory_space<hbm>>) target(%arg12 : memref<4000xi32, #tpu.memory_space<vmem>>) target_semaphore(%arg16 : memref<!tpu.dma_semaphore, #tpu.memory_space<semaphore_mem>>)
        %dma_start3A_77 = tpu.memref_slice %arg3[%add3A_53] : memref<6400000xi32, #tpu.memory_space<hbm>> -> memref<4000xi32, #tpu.memory_space<hbm>>
        %dma_start3A_78 = tpu.memref_slice %arg3[%add3A_53] : memref<6400000xi32, #tpu.memory_space<hbm>> -> memref<4000xi32, #tpu.memory_space<hbm>>
        tpu.enqueue_dma source(%dma_start3A_78 : memref<4000xi32, #tpu.memory_space<hbm>>) target(%arg14 : memref<4000xi32, #tpu.memory_space<vmem>>) target_semaphore(%arg16 : memref<!tpu.dma_semaphore, #tpu.memory_space<semaphore_mem>>)
      } else {
      }
      %dma_wait3A_59 = arith.constant 0 : i32
      %dma_wait3A_60 = tpu.memref_slice %arg2[%dma_wait3A_59] : memref<6400000xi32, #tpu.memory_space<hbm>> -> memref<4000xi32, #tpu.memory_space<hbm>>
      %dma_wait3A_61 = arith.constant 0 : i32
      %dma_wait3A_62 = tpu.memref_slice %arg2[%dma_wait3A_61] : memref<6400000xi32, #tpu.memory_space<hbm>> -> memref<4000xi32, #tpu.memory_space<hbm>>
      tpu.wait_dma2 semaphore(%arg16 : memref<!tpu.dma_semaphore, #tpu.memory_space<semaphore_mem>>) src(%dma_wait3A_62 : memref<4000xi32, #tpu.memory_space<hbm>>) dst(%arg12 : memref<4000xi32, #tpu.memory_space<vmem>>)
      %dma_wait3A_63 = arith.constant 0 : i32
      %dma_wait3A_64 = tpu.memref_slice %arg3[%dma_wait3A_63] : memref<6400000xi32, #tpu.memory_space<hbm>> -> memref<4000xi32, #tpu.memory_space<hbm>>
      %dma_wait3A_65 = arith.constant 0 : i32
      %dma_wait3A_66 = tpu.memref_slice %arg3[%dma_wait3A_65] : memref<6400000xi32, #tpu.memory_space<hbm>> -> memref<4000xi32, #tpu.memory_space<hbm>>
      tpu.wait_dma2 semaphore(%arg16 : memref<!tpu.dma_semaphore, #tpu.memory_space<semaphore_mem>>) src(%dma_wait3A_66 : memref<4000xi32, #tpu.memory_space<hbm>>) dst(%arg14 : memref<4000xi32, #tpu.memory_space<vmem>>)
      %dma_start3A_67 = arith.constant 0 : i32
      %dma_start3A_68 = tpu.memref_slice %arg7[%dma_start3A_67] : memref<102400xf32, #tpu.memory_space<vmem_shared>> -> memref<102400xf32, #tpu.memory_space<vmem_shared>>
      tpu.enqueue_indirect_dma source(%dma_start3A_68 : memref<102400xf32, #tpu.memory_space<vmem_shared>>) target(%arg10 : memref<4000xf32, #tpu.memory_space<vmem>>) offsets(%arg12 : memref<4000xi32, #tpu.memory_space<vmem>>) semaphore(%arg18 : memref<!tpu.dma_semaphore, #tpu.memory_space<semaphore_mem>>)
      %dma_wait3A_69 = arith.constant 0 : i32
      %dma_wait3A_70 = tpu.memref_slice %arg7[%dma_wait3A_69] : memref<102400xf32, #tpu.memory_space<vmem_shared>> -> memref<102400xf32, #tpu.memory_space<vmem_shared>>
      tpu.wait_indirect_dma semaphore(%arg18 : memref<!tpu.dma_semaphore, #tpu.memory_space<semaphore_mem>>) src(%dma_wait3A_70 : memref<102400xf32, #tpu.memory_space<vmem_shared>>) dst(%arg10 : memref<4000xf32, #tpu.memory_space<vmem>>)
      %dma_start3A_71 = arith.constant 0 : i32
      %dma_start3A_72 = tpu.memref_slice %arg8[%dma_start3A_71] : memref<102400xf32, #tpu.memory_space<vmem_shared>> -> memref<102400xf32, #tpu.memory_space<vmem_shared>>
      tpu.enqueue_indirect_dma source(%arg10 : memref<4000xf32, #tpu.memory_space<vmem>>) target(%dma_start3A_72 : memref<102400xf32, #tpu.memory_space<vmem_shared>>) offsets(%arg14 : memref<4000xi32, #tpu.memory_space<vmem>>) semaphore(%arg20 : memref<!tpu.dma_semaphore, #tpu.memory_space<semaphore_mem>>) {add = true}
    }
    %scan3A_18 = arith.constant 25 : i32
    %dma_wait3A = arith.constant 0 : i32
    %dma_wait3A_19 = tpu.memref_slice %arg8[%dma_wait3A] : memref<102400xf32, #tpu.memory_space<vmem_shared>> -> memref<102400xf32, #tpu.memory_space<vmem_shared>>
    tpu.wait_indirect_dma semaphore(%arg19 : memref<!tpu.dma_semaphore, #tpu.memory_space<semaphore_mem>>) src(%arg9 : memref<4000xf32, #tpu.memory_space<vmem>>) dst(%dma_wait3A_19 : memref<102400xf32, #tpu.memory_space<vmem_shared>>)
    %dma_wait3A_20 = arith.constant 0 : i32
    %dma_wait3A_21 = tpu.memref_slice %arg8[%dma_wait3A_20] : memref<102400xf32, #tpu.memory_space<vmem_shared>> -> memref<102400xf32, #tpu.memory_space<vmem_shared>>
    tpu.wait_indirect_dma semaphore(%arg20 : memref<!tpu.dma_semaphore, #tpu.memory_space<semaphore_mem>>) src(%arg10 : memref<4000xf32, #tpu.memory_space<vmem>>) dst(%dma_wait3A_21 : memref<102400xf32, #tpu.memory_space<vmem_shared>>)
    %barrier3A_22 = arith.constant 0 : index
    tpu.barrier barrier_id(%barrier3A_22)
    "tpu.region"() ({
      %run_scoped3A = tpu.sem_alloc : memref<!tpu.dma_semaphore, #tpu.memory_space<semaphore_mem>>
      %dma_start3A_23 = tpu.memref_slice %arg6[%arg0, %mul3A_4] : memref<2x102400xf32, #tpu.memory_space<hbm>> -> memref<1x6400xf32, #tpu.memory_space<hbm>>
      %dma_start3A_24 = tpu.memref_squeeze %dma_start3A_23 : memref<1x6400xf32, #tpu.memory_space<hbm>> -> memref<6400xf32, #tpu.memory_space<hbm>>
      %dma_start3A_25 = tpu.memref_slice %arg8[%mul3A_4] : memref<102400xf32, #tpu.memory_space<vmem_shared>> -> memref<6400xf32, #tpu.memory_space<vmem_shared>>
      tpu.enqueue_dma source(%dma_start3A_25 : memref<6400xf32, #tpu.memory_space<vmem_shared>>) target(%dma_start3A_24 : memref<6400xf32, #tpu.memory_space<hbm>>) target_semaphore(%run_scoped3A : memref<!tpu.dma_semaphore, #tpu.memory_space<semaphore_mem>>)
      %dma_wait3A_26 = tpu.memref_slice %arg6[%arg0, %mul3A_4] : memref<2x102400xf32, #tpu.memory_space<hbm>> -> memref<1x6400xf32, #tpu.memory_space<hbm>>
      %dma_wait3A_27 = tpu.memref_squeeze %dma_wait3A_26 : memref<1x6400xf32, #tpu.memory_space<hbm>> -> memref<6400xf32, #tpu.memory_space<hbm>>
      %dma_wait3A_28 = tpu.memref_slice %arg8[%mul3A_4] : memref<102400xf32, #tpu.memory_space<vmem_shared>> -> memref<6400xf32, #tpu.memory_space<vmem_shared>>
      tpu.wait_dma2 semaphore(%run_scoped3A : memref<!tpu.dma_semaphore, #tpu.memory_space<semaphore_mem>>) src(%dma_wait3A_28 : memref<6400xf32, #tpu.memory_space<vmem_shared>>) dst(%dma_wait3A_27 : memref<6400xf32, #tpu.memory_space<hbm>>)
      tpu.yield
    }) : () -> ()
    return
  }
}

#map = affine_map<(d0, d1) -> (0)>
#map1 = affine_map<(d0, d1) -> (0, 0)>
#map2 = affine_map<(d0, d1) -> (0, 0, 0)>
module attributes {stable_mosaic.version = 14 : i64} {
  func.func @body(%arg0: i32, %arg1: i32, %arg2: memref<6400000xi32, #tpu.memory_space<hbm>>, %arg3: memref<6400000xi32, #tpu.memory_space<hbm>>, %arg4: memref<102400x8xf32, #tpu.memory_space<hbm>>, %arg5: memref<102400x8xf32, #tpu.memory_space<hbm>>, %arg6: memref<2x102400x8xf32, #tpu.memory_space<hbm>>, %arg7: memref<102400x8xf32, #tpu.memory_space<vmem_shared>>, %arg8: memref<102400x8xf32, #tpu.memory_space<vmem_shared>>, %arg9: memref<1000x8xf32, #tpu.memory_space<vmem>>, %arg10: memref<1000x8xf32, #tpu.memory_space<vmem>>, %arg11: memref<1000xi32, #tpu.memory_space<vmem>>, %arg12: memref<1000xi32, #tpu.memory_space<vmem>>, %arg13: memref<1000xi32, #tpu.memory_space<vmem>>, %arg14: memref<1000xi32, #tpu.memory_space<vmem>>, %arg15: memref<!tpu.dma_semaphore, #tpu.memory_space<semaphore_mem>>, %arg16: memref<!tpu.dma_semaphore, #tpu.memory_space<semaphore_mem>>, %arg17: memref<!tpu.dma_semaphore, #tpu.memory_space<semaphore_mem>>, %arg18: memref<!tpu.dma_semaphore, #tpu.memory_space<semaphore_mem>>, %arg19: memref<!tpu.dma_semaphore, #tpu.memory_space<semaphore_mem>>, %arg20: memref<!tpu.dma_semaphore, #tpu.memory_space<semaphore_mem>>) attributes {dimension_semantics = [#tpu.dimension_semantics<core_parallel>, #tpu.dimension_semantics<subcore_parallel>], iteration_bounds = array<i64: 2, 16>, scalar_prefetch = 0 : i64, scratch_operands = 14 : i64, tpu.core_type = #tpu.core_type<sc_vector_subcore>, window_params = [{transform_indices = #map}, {transform_indices = #map}, {transform_indices = #map1}, {transform_indices = #map1}, {transform_indices = #map2}]} {
    %mul3A = arith.constant 16 : i32
    %mul3A_0 = arith.muli %arg0, %mul3A : i32
    %add3A = arith.addi %mul3A_0, %arg1 : i32
    %mul3A_1 = arith.constant 200000 : i32
    %mul3A_2 = arith.muli %add3A, %mul3A_1 : i32
    %mul3A_3 = arith.constant 6400 : i32
    %mul3A_4 = arith.muli %arg1, %mul3A_3 : i32
    "tpu.region"() ({
      %run_scoped3A = tpu.sem_alloc : memref<!tpu.dma_semaphore, #tpu.memory_space<semaphore_mem>>
      %dma_start3A_25 = arith.constant 0 : i32
      %dma_start3A_26 = tpu.memref_slice %arg7[%mul3A_4, %dma_start3A_25] : memref<102400x8xf32, #tpu.memory_space<vmem_shared>> -> memref<6400x8xf32, #tpu.memory_space<vmem_shared>>
      %dma_start3A_27 = arith.constant 0 : i32
      %dma_start3A_28 = tpu.memref_slice %arg5[%mul3A_4, %dma_start3A_27] : memref<102400x8xf32, #tpu.memory_space<hbm>> -> memref<6400x8xf32, #tpu.memory_space<hbm>>
      tpu.enqueue_dma source(%dma_start3A_28 : memref<6400x8xf32, #tpu.memory_space<hbm>>) target(%dma_start3A_26 : memref<6400x8xf32, #tpu.memory_space<vmem_shared>>) target_semaphore(%run_scoped3A : memref<!tpu.dma_semaphore, #tpu.memory_space<semaphore_mem>>)
      %dma_wait3A_29 = arith.constant 0 : i32
      %dma_wait3A_30 = tpu.memref_slice %arg7[%mul3A_4, %dma_wait3A_29] : memref<102400x8xf32, #tpu.memory_space<vmem_shared>> -> memref<6400x8xf32, #tpu.memory_space<vmem_shared>>
      %dma_wait3A_31 = arith.constant 0 : i32
      %dma_wait3A_32 = tpu.memref_slice %arg5[%mul3A_4, %dma_wait3A_31] : memref<102400x8xf32, #tpu.memory_space<hbm>> -> memref<6400x8xf32, #tpu.memory_space<hbm>>
      tpu.wait_dma2 semaphore(%run_scoped3A : memref<!tpu.dma_semaphore, #tpu.memory_space<semaphore_mem>>) src(%dma_wait3A_32 : memref<6400x8xf32, #tpu.memory_space<hbm>>) dst(%dma_wait3A_30 : memref<6400x8xf32, #tpu.memory_space<vmem_shared>>)
      tpu.yield
    }) : () -> ()
    "tpu.region"() ({
      %run_scoped3A = tpu.sem_alloc : memref<!tpu.dma_semaphore, #tpu.memory_space<semaphore_mem>>
      %dma_start3A_25 = arith.constant 0 : i32
      %dma_start3A_26 = tpu.memref_slice %arg8[%mul3A_4, %dma_start3A_25] : memref<102400x8xf32, #tpu.memory_space<vmem_shared>> -> memref<6400x8xf32, #tpu.memory_space<vmem_shared>>
      %dma_start3A_27 = arith.constant 0 : i32
      %dma_start3A_28 = tpu.memref_slice %arg4[%mul3A_4, %dma_start3A_27] : memref<102400x8xf32, #tpu.memory_space<hbm>> -> memref<6400x8xf32, #tpu.memory_space<hbm>>
      tpu.enqueue_dma source(%dma_start3A_28 : memref<6400x8xf32, #tpu.memory_space<hbm>>) target(%dma_start3A_26 : memref<6400x8xf32, #tpu.memory_space<vmem_shared>>) target_semaphore(%run_scoped3A : memref<!tpu.dma_semaphore, #tpu.memory_space<semaphore_mem>>)
      %dma_wait3A_29 = arith.constant 0 : i32
      %dma_wait3A_30 = tpu.memref_slice %arg8[%mul3A_4, %dma_wait3A_29] : memref<102400x8xf32, #tpu.memory_space<vmem_shared>> -> memref<6400x8xf32, #tpu.memory_space<vmem_shared>>
      %dma_wait3A_31 = arith.constant 0 : i32
      %dma_wait3A_32 = tpu.memref_slice %arg4[%mul3A_4, %dma_wait3A_31] : memref<102400x8xf32, #tpu.memory_space<hbm>> -> memref<6400x8xf32, #tpu.memory_space<hbm>>
      tpu.wait_dma2 semaphore(%run_scoped3A : memref<!tpu.dma_semaphore, #tpu.memory_space<semaphore_mem>>) src(%dma_wait3A_32 : memref<6400x8xf32, #tpu.memory_space<hbm>>) dst(%dma_wait3A_30 : memref<6400x8xf32, #tpu.memory_space<vmem_shared>>)
      tpu.yield
    }) : () -> ()
    %barrier3A = arith.constant 0 : index
    tpu.barrier barrier_id(%barrier3A)
    %dma_start3A = tpu.memref_slice %arg2[%mul3A_2] : memref<6400000xi32, #tpu.memory_space<hbm>> -> memref<1000xi32, #tpu.memory_space<hbm>>
    %dma_start3A_5 = tpu.memref_slice %arg2[%mul3A_2] : memref<6400000xi32, #tpu.memory_space<hbm>> -> memref<1000xi32, #tpu.memory_space<hbm>>
    tpu.enqueue_dma source(%dma_start3A_5 : memref<1000xi32, #tpu.memory_space<hbm>>) target(%arg11 : memref<1000xi32, #tpu.memory_space<vmem>>) target_semaphore(%arg15 : memref<!tpu.dma_semaphore, #tpu.memory_space<semaphore_mem>>)
    %dma_start3A_6 = tpu.memref_slice %arg3[%mul3A_2] : memref<6400000xi32, #tpu.memory_space<hbm>> -> memref<1000xi32, #tpu.memory_space<hbm>>
    %dma_start3A_7 = tpu.memref_slice %arg3[%mul3A_2] : memref<6400000xi32, #tpu.memory_space<hbm>> -> memref<1000xi32, #tpu.memory_space<hbm>>
    tpu.enqueue_dma source(%dma_start3A_7 : memref<1000xi32, #tpu.memory_space<hbm>>) target(%arg13 : memref<1000xi32, #tpu.memory_space<vmem>>) target_semaphore(%arg15 : memref<!tpu.dma_semaphore, #tpu.memory_space<semaphore_mem>>)
    %add3A_8 = arith.constant 1000 : i32
    %add3A_9 = arith.addi %mul3A_2, %add3A_8 : i32
    %dma_start3A_10 = tpu.memref_slice %arg2[%add3A_9] : memref<6400000xi32, #tpu.memory_space<hbm>> -> memref<1000xi32, #tpu.memory_space<hbm>>
    %dma_start3A_11 = tpu.memref_slice %arg2[%add3A_9] : memref<6400000xi32, #tpu.memory_space<hbm>> -> memref<1000xi32, #tpu.memory_space<hbm>>
    tpu.enqueue_dma source(%dma_start3A_11 : memref<1000xi32, #tpu.memory_space<hbm>>) target(%arg12 : memref<1000xi32, #tpu.memory_space<vmem>>) target_semaphore(%arg16 : memref<!tpu.dma_semaphore, #tpu.memory_space<semaphore_mem>>)
    %dma_start3A_12 = tpu.memref_slice %arg3[%add3A_9] : memref<6400000xi32, #tpu.memory_space<hbm>> -> memref<1000xi32, #tpu.memory_space<hbm>>
    %dma_start3A_13 = tpu.memref_slice %arg3[%add3A_9] : memref<6400000xi32, #tpu.memory_space<hbm>> -> memref<1000xi32, #tpu.memory_space<hbm>>
    tpu.enqueue_dma source(%dma_start3A_13 : memref<1000xi32, #tpu.memory_space<hbm>>) target(%arg14 : memref<1000xi32, #tpu.memory_space<vmem>>) target_semaphore(%arg16 : memref<!tpu.dma_semaphore, #tpu.memory_space<semaphore_mem>>)
    %scan3A = arith.constant 0 : i32
    %scan3A_14 = arith.constant 0 : i32
    %scan3A_15 = arith.constant 100 : i32
    %scan3A_16 = arith.addi %scan3A_14, %scan3A_15 : i32
    %scan3A_17 = arith.constant 1 : i32
    scf.for %scan3A_25 = %scan3A_14 to %scan3A_16 step %scan3A_17  : i32 {
      %mul3A_26 = arith.constant 2 : i32
      %mul3A_27 = arith.muli %mul3A_26, %scan3A_25 : i32
      %add3A_28 = arith.constant 0 : i32
      %add3A_29 = arith.addi %mul3A_27, %add3A_28 : i32
      %mul3A_30 = arith.constant 1000 : i32
      %mul3A_31 = arith.muli %add3A_29, %mul3A_30 : i32
      %add3A_32 = arith.addi %mul3A_2, %mul3A_31 : i32
      %gt3A = arith.constant 0 : i32
      %gt3A_33 = arith.cmpi sgt, %scan3A_25, %gt3A : i32
      %convert_element_type3A = arith.extui %gt3A_33 : i1 to i32
      %cond3A = arith.constant 0 : i32
      %cond3A_34 = arith.cmpi ne, %convert_element_type3A, %cond3A : i32
      scf.if %cond3A_34 {
        %dma_wait3A_81 = arith.constant 0 : i32
        %dma_wait3A_82 = arith.constant 0 : i32
        %dma_wait3A_83 = tpu.memref_slice %arg8[%dma_wait3A_81, %dma_wait3A_82] : memref<102400x8xf32, #tpu.memory_space<vmem_shared>> -> memref<102400x8xf32, #tpu.memory_space<vmem_shared>>
        tpu.wait_indirect_dma semaphore(%arg19 : memref<!tpu.dma_semaphore, #tpu.memory_space<semaphore_mem>>) src(%arg9 : memref<1000x8xf32, #tpu.memory_space<vmem>>) dst(%dma_wait3A_83 : memref<102400x8xf32, #tpu.memory_space<vmem_shared>>)
        %dma_start3A_84 = tpu.memref_slice %arg2[%add3A_32] : memref<6400000xi32, #tpu.memory_space<hbm>> -> memref<1000xi32, #tpu.memory_space<hbm>>
        %dma_start3A_85 = tpu.memref_slice %arg2[%add3A_32] : memref<6400000xi32, #tpu.memory_space<hbm>> -> memref<1000xi32, #tpu.memory_space<hbm>>
        tpu.enqueue_dma source(%dma_start3A_85 : memref<1000xi32, #tpu.memory_space<hbm>>) target(%arg11 : memref<1000xi32, #tpu.memory_space<vmem>>) target_semaphore(%arg15 : memref<!tpu.dma_semaphore, #tpu.memory_space<semaphore_mem>>)
        %dma_start3A_86 = tpu.memref_slice %arg3[%add3A_32] : memref<6400000xi32, #tpu.memory_space<hbm>> -> memref<1000xi32, #tpu.memory_space<hbm>>
        %dma_start3A_87 = tpu.memref_slice %arg3[%add3A_32] : memref<6400000xi32, #tpu.memory_space<hbm>> -> memref<1000xi32, #tpu.memory_space<hbm>>
        tpu.enqueue_dma source(%dma_start3A_87 : memref<1000xi32, #tpu.memory_space<hbm>>) target(%arg13 : memref<1000xi32, #tpu.memory_space<vmem>>) target_semaphore(%arg15 : memref<!tpu.dma_semaphore, #tpu.memory_space<semaphore_mem>>)
      } else {
      }
      %dma_wait3A_35 = arith.constant 0 : i32
      %dma_wait3A_36 = tpu.memref_slice %arg2[%dma_wait3A_35] : memref<6400000xi32, #tpu.memory_space<hbm>> -> memref<1000xi32, #tpu.memory_space<hbm>>
      %dma_wait3A_37 = arith.constant 0 : i32
      %dma_wait3A_38 = tpu.memref_slice %arg2[%dma_wait3A_37] : memref<6400000xi32, #tpu.memory_space<hbm>> -> memref<1000xi32, #tpu.memory_space<hbm>>
      tpu.wait_dma2 semaphore(%arg15 : memref<!tpu.dma_semaphore, #tpu.memory_space<semaphore_mem>>) src(%dma_wait3A_38 : memref<1000xi32, #tpu.memory_space<hbm>>) dst(%arg11 : memref<1000xi32, #tpu.memory_space<vmem>>)
      %dma_wait3A_39 = arith.constant 0 : i32
      %dma_wait3A_40 = tpu.memref_slice %arg3[%dma_wait3A_39] : memref<6400000xi32, #tpu.memory_space<hbm>> -> memref<1000xi32, #tpu.memory_space<hbm>>
      %dma_wait3A_41 = arith.constant 0 : i32
      %dma_wait3A_42 = tpu.memref_slice %arg3[%dma_wait3A_41] : memref<6400000xi32, #tpu.memory_space<hbm>> -> memref<1000xi32, #tpu.memory_space<hbm>>
      tpu.wait_dma2 semaphore(%arg15 : memref<!tpu.dma_semaphore, #tpu.memory_space<semaphore_mem>>) src(%dma_wait3A_42 : memref<1000xi32, #tpu.memory_space<hbm>>) dst(%arg13 : memref<1000xi32, #tpu.memory_space<vmem>>)
      %dma_start3A_43 = arith.constant 0 : i32
      %dma_start3A_44 = arith.constant 0 : i32
      %dma_start3A_45 = tpu.memref_slice %arg7[%dma_start3A_43, %dma_start3A_44] : memref<102400x8xf32, #tpu.memory_space<vmem_shared>> -> memref<102400x8xf32, #tpu.memory_space<vmem_shared>>
      tpu.enqueue_indirect_dma source(%dma_start3A_45 : memref<102400x8xf32, #tpu.memory_space<vmem_shared>>) target(%arg9 : memref<1000x8xf32, #tpu.memory_space<vmem>>) offsets(%arg11 : memref<1000xi32, #tpu.memory_space<vmem>>) semaphore(%arg17 : memref<!tpu.dma_semaphore, #tpu.memory_space<semaphore_mem>>)
      %dma_wait3A_46 = arith.constant 0 : i32
      %dma_wait3A_47 = arith.constant 0 : i32
      %dma_wait3A_48 = tpu.memref_slice %arg7[%dma_wait3A_46, %dma_wait3A_47] : memref<102400x8xf32, #tpu.memory_space<vmem_shared>> -> memref<102400x8xf32, #tpu.memory_space<vmem_shared>>
      tpu.wait_indirect_dma semaphore(%arg17 : memref<!tpu.dma_semaphore, #tpu.memory_space<semaphore_mem>>) src(%dma_wait3A_48 : memref<102400x8xf32, #tpu.memory_space<vmem_shared>>) dst(%arg9 : memref<1000x8xf32, #tpu.memory_space<vmem>>)
      %dma_start3A_49 = arith.constant 0 : i32
      %dma_start3A_50 = arith.constant 0 : i32
      %dma_start3A_51 = tpu.memref_slice %arg8[%dma_start3A_49, %dma_start3A_50] : memref<102400x8xf32, #tpu.memory_space<vmem_shared>> -> memref<102400x8xf32, #tpu.memory_space<vmem_shared>>
      tpu.enqueue_indirect_dma source(%arg9 : memref<1000x8xf32, #tpu.memory_space<vmem>>) target(%dma_start3A_51 : memref<102400x8xf32, #tpu.memory_space<vmem_shared>>) offsets(%arg13 : memref<1000xi32, #tpu.memory_space<vmem>>) semaphore(%arg19 : memref<!tpu.dma_semaphore, #tpu.memory_space<semaphore_mem>>) {add = true}
      %mul3A_52 = arith.constant 2 : i32
      %mul3A_53 = arith.muli %mul3A_52, %scan3A_25 : i32
      %add3A_54 = arith.constant 1 : i32
      %add3A_55 = arith.addi %mul3A_53, %add3A_54 : i32
      %mul3A_56 = arith.constant 1000 : i32
      %mul3A_57 = arith.muli %add3A_55, %mul3A_56 : i32
      %add3A_58 = arith.addi %mul3A_2, %mul3A_57 : i32
      %gt3A_59 = arith.constant 0 : i32
      %gt3A_60 = arith.cmpi sgt, %scan3A_25, %gt3A_59 : i32
      %convert_element_type3A_61 = arith.extui %gt3A_60 : i1 to i32
      %cond3A_62 = arith.constant 0 : i32
      %cond3A_63 = arith.cmpi ne, %convert_element_type3A_61, %cond3A_62 : i32
      scf.if %cond3A_63 {
        %dma_wait3A_81 = arith.constant 0 : i32
        %dma_wait3A_82 = arith.constant 0 : i32
        %dma_wait3A_83 = tpu.memref_slice %arg8[%dma_wait3A_81, %dma_wait3A_82] : memref<102400x8xf32, #tpu.memory_space<vmem_shared>> -> memref<102400x8xf32, #tpu.memory_space<vmem_shared>>
        tpu.wait_indirect_dma semaphore(%arg20 : memref<!tpu.dma_semaphore, #tpu.memory_space<semaphore_mem>>) src(%arg10 : memref<1000x8xf32, #tpu.memory_space<vmem>>) dst(%dma_wait3A_83 : memref<102400x8xf32, #tpu.memory_space<vmem_shared>>)
        %dma_start3A_84 = tpu.memref_slice %arg2[%add3A_58] : memref<6400000xi32, #tpu.memory_space<hbm>> -> memref<1000xi32, #tpu.memory_space<hbm>>
        %dma_start3A_85 = tpu.memref_slice %arg2[%add3A_58] : memref<6400000xi32, #tpu.memory_space<hbm>> -> memref<1000xi32, #tpu.memory_space<hbm>>
        tpu.enqueue_dma source(%dma_start3A_85 : memref<1000xi32, #tpu.memory_space<hbm>>) target(%arg12 : memref<1000xi32, #tpu.memory_space<vmem>>) target_semaphore(%arg16 : memref<!tpu.dma_semaphore, #tpu.memory_space<semaphore_mem>>)
        %dma_start3A_86 = tpu.memref_slice %arg3[%add3A_58] : memref<6400000xi32, #tpu.memory_space<hbm>> -> memref<1000xi32, #tpu.memory_space<hbm>>
        %dma_start3A_87 = tpu.memref_slice %arg3[%add3A_58] : memref<6400000xi32, #tpu.memory_space<hbm>> -> memref<1000xi32, #tpu.memory_space<hbm>>
        tpu.enqueue_dma source(%dma_start3A_87 : memref<1000xi32, #tpu.memory_space<hbm>>) target(%arg14 : memref<1000xi32, #tpu.memory_space<vmem>>) target_semaphore(%arg16 : memref<!tpu.dma_semaphore, #tpu.memory_space<semaphore_mem>>)
      } else {
      }
      %dma_wait3A_64 = arith.constant 0 : i32
      %dma_wait3A_65 = tpu.memref_slice %arg2[%dma_wait3A_64] : memref<6400000xi32, #tpu.memory_space<hbm>> -> memref<1000xi32, #tpu.memory_space<hbm>>
      %dma_wait3A_66 = arith.constant 0 : i32
      %dma_wait3A_67 = tpu.memref_slice %arg2[%dma_wait3A_66] : memref<6400000xi32, #tpu.memory_space<hbm>> -> memref<1000xi32, #tpu.memory_space<hbm>>
      tpu.wait_dma2 semaphore(%arg16 : memref<!tpu.dma_semaphore, #tpu.memory_space<semaphore_mem>>) src(%dma_wait3A_67 : memref<1000xi32, #tpu.memory_space<hbm>>) dst(%arg12 : memref<1000xi32, #tpu.memory_space<vmem>>)
      %dma_wait3A_68 = arith.constant 0 : i32
      %dma_wait3A_69 = tpu.memref_slice %arg3[%dma_wait3A_68] : memref<6400000xi32, #tpu.memory_space<hbm>> -> memref<1000xi32, #tpu.memory_space<hbm>>
      %dma_wait3A_70 = arith.constant 0 : i32
      %dma_wait3A_71 = tpu.memref_slice %arg3[%dma_wait3A_70] : memref<6400000xi32, #tpu.memory_space<hbm>> -> memref<1000xi32, #tpu.memory_space<hbm>>
      tpu.wait_dma2 semaphore(%arg16 : memref<!tpu.dma_semaphore, #tpu.memory_space<semaphore_mem>>) src(%dma_wait3A_71 : memref<1000xi32, #tpu.memory_space<hbm>>) dst(%arg14 : memref<1000xi32, #tpu.memory_space<vmem>>)
      %dma_start3A_72 = arith.constant 0 : i32
      %dma_start3A_73 = arith.constant 0 : i32
      %dma_start3A_74 = tpu.memref_slice %arg7[%dma_start3A_72, %dma_start3A_73] : memref<102400x8xf32, #tpu.memory_space<vmem_shared>> -> memref<102400x8xf32, #tpu.memory_space<vmem_shared>>
      tpu.enqueue_indirect_dma source(%dma_start3A_74 : memref<102400x8xf32, #tpu.memory_space<vmem_shared>>) target(%arg10 : memref<1000x8xf32, #tpu.memory_space<vmem>>) offsets(%arg12 : memref<1000xi32, #tpu.memory_space<vmem>>) semaphore(%arg18 : memref<!tpu.dma_semaphore, #tpu.memory_space<semaphore_mem>>)
      %dma_wait3A_75 = arith.constant 0 : i32
      %dma_wait3A_76 = arith.constant 0 : i32
      %dma_wait3A_77 = tpu.memref_slice %arg7[%dma_wait3A_75, %dma_wait3A_76] : memref<102400x8xf32, #tpu.memory_space<vmem_shared>> -> memref<102400x8xf32, #tpu.memory_space<vmem_shared>>
      tpu.wait_indirect_dma semaphore(%arg18 : memref<!tpu.dma_semaphore, #tpu.memory_space<semaphore_mem>>) src(%dma_wait3A_77 : memref<102400x8xf32, #tpu.memory_space<vmem_shared>>) dst(%arg10 : memref<1000x8xf32, #tpu.memory_space<vmem>>)
      %dma_start3A_78 = arith.constant 0 : i32
      %dma_start3A_79 = arith.constant 0 : i32
      %dma_start3A_80 = tpu.memref_slice %arg8[%dma_start3A_78, %dma_start3A_79] : memref<102400x8xf32, #tpu.memory_space<vmem_shared>> -> memref<102400x8xf32, #tpu.memory_space<vmem_shared>>
      tpu.enqueue_indirect_dma source(%arg10 : memref<1000x8xf32, #tpu.memory_space<vmem>>) target(%dma_start3A_80 : memref<102400x8xf32, #tpu.memory_space<vmem_shared>>) offsets(%arg14 : memref<1000xi32, #tpu.memory_space<vmem>>) semaphore(%arg20 : memref<!tpu.dma_semaphore, #tpu.memory_space<semaphore_mem>>) {add = true}
    }
    %scan3A_18 = arith.constant 100 : i32
    %dma_wait3A = arith.constant 0 : i32
    %dma_wait3A_19 = arith.constant 0 : i32
    %dma_wait3A_20 = tpu.memref_slice %arg8[%dma_wait3A, %dma_wait3A_19] : memref<102400x8xf32, #tpu.memory_space<vmem_shared>> -> memref<102400x8xf32, #tpu.memory_space<vmem_shared>>
    tpu.wait_indirect_dma semaphore(%arg19 : memref<!tpu.dma_semaphore, #tpu.memory_space<semaphore_mem>>) src(%arg9 : memref<1000x8xf32, #tpu.memory_space<vmem>>) dst(%dma_wait3A_20 : memref<102400x8xf32, #tpu.memory_space<vmem_shared>>)
    %dma_wait3A_21 = arith.constant 0 : i32
    %dma_wait3A_22 = arith.constant 0 : i32
    %dma_wait3A_23 = tpu.memref_slice %arg8[%dma_wait3A_21, %dma_wait3A_22] : memref<102400x8xf32, #tpu.memory_space<vmem_shared>> -> memref<102400x8xf32, #tpu.memory_space<vmem_shared>>
    tpu.wait_indirect_dma semaphore(%arg20 : memref<!tpu.dma_semaphore, #tpu.memory_space<semaphore_mem>>) src(%arg10 : memref<1000x8xf32, #tpu.memory_space<vmem>>) dst(%dma_wait3A_23 : memref<102400x8xf32, #tpu.memory_space<vmem_shared>>)
    %barrier3A_24 = arith.constant 0 : index
    tpu.barrier barrier_id(%barrier3A_24)
    "tpu.region"() ({
      %run_scoped3A = tpu.sem_alloc : memref<!tpu.dma_semaphore, #tpu.memory_space<semaphore_mem>>
      %dma_start3A_25 = arith.constant 0 : i32
      %dma_start3A_26 = tpu.memref_slice %arg6[%arg0, %mul3A_4, %dma_start3A_25] : memref<2x102400x8xf32, #tpu.memory_space<hbm>> -> memref<1x6400x8xf32, #tpu.memory_space<hbm>>
      %dma_start3A_27 = tpu.memref_squeeze %dma_start3A_26 : memref<1x6400x8xf32, #tpu.memory_space<hbm>> -> memref<6400x8xf32, #tpu.memory_space<hbm>>
      %dma_start3A_28 = arith.constant 0 : i32
      %dma_start3A_29 = tpu.memref_slice %arg8[%mul3A_4, %dma_start3A_28] : memref<102400x8xf32, #tpu.memory_space<vmem_shared>> -> memref<6400x8xf32, #tpu.memory_space<vmem_shared>>
      tpu.enqueue_dma source(%dma_start3A_29 : memref<6400x8xf32, #tpu.memory_space<vmem_shared>>) target(%dma_start3A_27 : memref<6400x8xf32, #tpu.memory_space<hbm>>) target_semaphore(%run_scoped3A : memref<!tpu.dma_semaphore, #tpu.memory_space<semaphore_mem>>)
      %dma_wait3A_30 = arith.constant 0 : i32
      %dma_wait3A_31 = tpu.memref_slice %arg6[%arg0, %mul3A_4, %dma_wait3A_30] : memref<2x102400x8xf32, #tpu.memory_space<hbm>> -> memref<1x6400x8xf32, #tpu.memory_space<hbm>>
      %dma_wait3A_32 = tpu.memref_squeeze %dma_wait3A_31 : memref<1x6400x8xf32, #tpu.memory_space<hbm>> -> memref<6400x8xf32, #tpu.memory_space<hbm>>
      %dma_wait3A_33 = arith.constant 0 : i32
      %dma_wait3A_34 = tpu.memref_slice %arg8[%mul3A_4, %dma_wait3A_33] : memref<102400x8xf32, #tpu.memory_space<vmem_shared>> -> memref<6400x8xf32, #tpu.memory_space<vmem_shared>>
      tpu.wait_dma2 semaphore(%run_scoped3A : memref<!tpu.dma_semaphore, #tpu.memory_space<semaphore_mem>>) src(%dma_wait3A_34 : memref<6400x8xf32, #tpu.memory_space<vmem_shared>>) dst(%dma_wait3A_32 : memref<6400x8xf32, #tpu.memory_space<hbm>>)
      tpu.yield
    }) : () -> ()
    return
  }
}

module attributes {stable_mosaic.version = 14 : i64} {
  func.func @_tc_node1(%arg0: i32, %arg1: memref<2x3200x8xf32, #tpu.memory_space<vmem>>, %arg2: memref<3200x64xf32, #tpu.memory_space<vmem>>, %arg3: memref<8x64xf32, #tpu.memory_space<vmem>>, %arg4: memref<3200x8xf32, #tpu.memory_space<vmem>>, %arg5: memref<3200x64xf32, #tpu.memory_space<vmem>>) attributes {dimension_semantics = [#tpu.dimension_semantics<arbitrary>], iteration_bounds = array<i64: 4>, scalar_prefetch = 0 : i64, scratch_operands = 0 : i64, tpu.core_type = #tpu.core_type<tc>, window_params = [{transform_indices = @transform_0, window_bounds = array<i64: 2, 3200, 8>}, {transform_indices = @transform_1, window_bounds = array<i64: 3200, 64>}, {pipeline_mode = #tpu.pipeline_mode<synchronous>, transform_indices = @transform_2, window_bounds = array<i64: 8, 64>}, {transform_indices = @transform_3, window_bounds = array<i64: 3200, 8>}, {transform_indices = @transform_4, window_bounds = array<i64: 3200, 64>}]} {
    %get3A = arith.constant 0 : index
    %get3A_0 = arith.constant 0 : index
    %get3A_1 = arith.constant 0 : index
    %get3A_2 = vector.load %arg1[%get3A, %get3A_0, %get3A_1] : memref<2x3200x8xf32, #tpu.memory_space<vmem>>, vector<1x3200x8xf32>
    %get3A_3 = vector.shape_cast %get3A_2 : vector<1x3200x8xf32> to vector<3200x8xf32>
    %add3A = arith.constant 1.000000e+00 : f32
    %add3A_4 = vector.broadcast %add3A : f32 to vector<3200x8xf32>
    %add3A_5 = arith.addf %add3A_4, %get3A_3 : vector<3200x8xf32>
    %get3A_6 = arith.constant 1 : index
    %get3A_7 = arith.constant 0 : index
    %get3A_8 = arith.constant 0 : index
    %get3A_9 = vector.load %arg1[%get3A_6, %get3A_7, %get3A_8] : memref<2x3200x8xf32, #tpu.memory_space<vmem>>, vector<1x3200x8xf32>
    %get3A_10 = vector.shape_cast %get3A_9 : vector<1x3200x8xf32> to vector<3200x8xf32>
    %add3A_11 = arith.addf %add3A_5, %get3A_10 : vector<3200x8xf32>
    %rsqrt3A = math.rsqrt %add3A_11 : vector<3200x8xf32>
    %swap3A = arith.constant 0 : index
    %swap3A_12 = arith.constant 0 : index
    %swap3A_13 = vector.load %arg4[%swap3A, %swap3A_12] : memref<3200x8xf32, #tpu.memory_space<vmem>>, vector<3200x8xf32>
    tpu.vector_store %arg4[%swap3A, %swap3A_12], %rsqrt3A {strides = array<i32>} : memref<3200x8xf32, #tpu.memory_space<vmem>>, vector<3200x8xf32>,
    %get3A_14 = arith.constant 0 : index
    %get3A_15 = arith.constant 0 : index
    %get3A_16 = vector.load %arg2[%get3A_14, %get3A_15] : memref<3200x64xf32, #tpu.memory_space<vmem>>, vector<3200x64xf32>
    %convert_element_type3A = arith.truncf %get3A_16 : vector<3200x64xf32> to vector<3200x64xbf16>
    %convert_element_type3A_17 = arith.extf %convert_element_type3A : vector<3200x64xbf16> to vector<3200x64xf32>
    %get3A_18 = arith.constant 0 : index
    %get3A_19 = arith.constant 0 : index
    %get3A_20 = vector.load %arg3[%get3A_18, %get3A_19] : memref<8x64xf32, #tpu.memory_space<vmem>>, vector<8x64xf32>
    %dot_general3A = arith.constant dense<0.000000e+00> : vector<3200x64xf32>
    %dot_general3A_21 = tpu.matmul %rsqrt3A, %get3A_20, %dot_general3A {dimension_numbers = #tpu.dot_dimension_numbers<[1], [0], [0], [1], [0, 0, 1, 1], [], []>, precision = #tpu.contract_precision<fp32>, transpose_lhs_hint = false} : vector<3200x8xf32>, vector<8x64xf32>, vector<3200x64xf32> -> vector<3200x64xf32>
    %mul3A = arith.mulf %convert_element_type3A_17, %dot_general3A_21 : vector<3200x64xf32>
    %swap3A_22 = arith.constant 0 : index
    %swap3A_23 = arith.constant 0 : index
    %swap3A_24 = vector.load %arg5[%swap3A_22, %swap3A_23] : memref<3200x64xf32, #tpu.memory_space<vmem>>, vector<3200x64xf32>
    tpu.vector_store %arg5[%swap3A_22, %swap3A_23], %mul3A {strides = array<i32>} : memref<3200x64xf32, #tpu.memory_space<vmem>>, vector<3200x64xf32>,
    return
  }
  func.func @transform_0(%arg0: i32) -> (i32, i32, i32) {
    %c0_i32 = arith.constant 0 : i32
    %c0_i32_0 = arith.constant 0 : i32
    %c0_i32_1 = arith.constant 0 : i32
    return %c0_i32, %arg0, %c0_i32_0 : i32, i32, i32
  }
  func.func @transform_1(%arg0: i32) -> (i32, i32) {
    %c0_i32 = arith.constant 0 : i32
    %c0_i32_0 = arith.constant 0 : i32
    return %arg0, %c0_i32 : i32, i32
  }
  func.func @transform_2(%arg0: i32) -> (i32, i32) {
    %c0_i32 = arith.constant 0 : i32
    %c0_i32_0 = arith.constant 0 : i32
    %c0_i32_1 = arith.constant 0 : i32
    return %c0_i32, %c0_i32_0 : i32, i32
  }
  func.func @transform_3(%arg0: i32) -> (i32, i32) {
    %c0_i32 = arith.constant 0 : i32
    %c0_i32_0 = arith.constant 0 : i32
    return %arg0, %c0_i32 : i32, i32
  }
  func.func @transform_4(%arg0: i32) -> (i32, i32) {
    %c0_i32 = arith.constant 0 : i32
    %c0_i32_0 = arith.constant 0 : i32
    return %arg0, %c0_i32 : i32, i32
  }
}

module attributes {stable_mosaic.version = 14 : i64} {
  func.func @_tc_node2(%arg0: i32, %arg1: memref<2x3200x64xf32, #tpu.memory_space<vmem>>, %arg2: memref<3200x64xf32, #tpu.memory_space<vmem>>, %arg3: memref<3200x8xf32, #tpu.memory_space<vmem>>, %arg4: memref<8x64xf32, #tpu.memory_space<vmem>>, %arg5: memref<64x128xf32, #tpu.memory_space<vmem>>, %arg6: memref<1x128xf32, #tpu.memory_space<vmem>>, %arg7: memref<128x8xf32, #tpu.memory_space<vmem>>, %arg8: memref<3200x8xf32, #tpu.memory_space<vmem>>) attributes {dimension_semantics = [#tpu.dimension_semantics<arbitrary>], iteration_bounds = array<i64: 4>, scalar_prefetch = 0 : i64, scratch_operands = 0 : i64, tpu.core_type = #tpu.core_type<tc>, window_params = [{transform_indices = @transform_0, window_bounds = array<i64: 2, 3200, 64>}, {transform_indices = @transform_1, window_bounds = array<i64: 3200, 64>}, {transform_indices = @transform_2, window_bounds = array<i64: 3200, 8>}, {pipeline_mode = #tpu.pipeline_mode<synchronous>, transform_indices = @transform_3, window_bounds = array<i64: 8, 64>}, {pipeline_mode = #tpu.pipeline_mode<synchronous>, transform_indices = @transform_4, window_bounds = array<i64: 64, 128>}, {pipeline_mode = #tpu.pipeline_mode<synchronous>, transform_indices = @transform_5, window_bounds = array<i64: 1, 128>}, {pipeline_mode = #tpu.pipeline_mode<synchronous>, transform_indices = @transform_6, window_bounds = array<i64: 128, 8>}, {transform_indices = @transform_7, window_bounds = array<i64: 3200, 8>}]} {
    %get3A = arith.constant 0 : index
    %get3A_0 = arith.constant 0 : index
    %get3A_1 = vector.load %arg3[%get3A, %get3A_0] : memref<3200x8xf32, #tpu.memory_space<vmem>>, vector<3200x8xf32>
    %get3A_2 = arith.constant 0 : index
    %get3A_3 = arith.constant 0 : index
    %get3A_4 = vector.load %arg4[%get3A_2, %get3A_3] : memref<8x64xf32, #tpu.memory_space<vmem>>, vector<8x64xf32>
    %dot_general3A = arith.constant dense<0.000000e+00> : vector<3200x64xf32>
    %dot_general3A_5 = tpu.matmul %get3A_1, %get3A_4, %dot_general3A {dimension_numbers = #tpu.dot_dimension_numbers<[1], [0], [0], [1], [0, 0, 1, 1], [], []>, precision = #tpu.contract_precision<fp32>, transpose_lhs_hint = false} : vector<3200x8xf32>, vector<8x64xf32>, vector<3200x64xf32> -> vector<3200x64xf32>
    %get3A_6 = arith.constant 0 : index
    %get3A_7 = arith.constant 0 : index
    %get3A_8 = arith.constant 0 : index
    %get3A_9 = vector.load %arg1[%get3A_6, %get3A_7, %get3A_8] : memref<2x3200x64xf32, #tpu.memory_space<vmem>>, vector<1x3200x64xf32>
    %get3A_10 = vector.shape_cast %get3A_9 : vector<1x3200x64xf32> to vector<3200x64xf32>
    %get3A_11 = arith.constant 1 : index
    %get3A_12 = arith.constant 0 : index
    %get3A_13 = arith.constant 0 : index
    %get3A_14 = vector.load %arg1[%get3A_11, %get3A_12, %get3A_13] : memref<2x3200x64xf32, #tpu.memory_space<vmem>>, vector<1x3200x64xf32>
    %get3A_15 = vector.shape_cast %get3A_14 : vector<1x3200x64xf32> to vector<3200x64xf32>
    %add3A = arith.addf %get3A_10, %get3A_15 : vector<3200x64xf32>
    %get3A_16 = arith.constant 0 : index
    %get3A_17 = arith.constant 0 : index
    %get3A_18 = vector.load %arg2[%get3A_16, %get3A_17] : memref<3200x64xf32, #tpu.memory_space<vmem>>, vector<3200x64xf32>
    %add3A_19 = arith.addf %add3A, %get3A_18 : vector<3200x64xf32>
    %mul3A = arith.mulf %dot_general3A_5, %add3A_19 : vector<3200x64xf32>
    %get3A_20 = arith.constant 0 : index
    %get3A_21 = arith.constant 0 : index
    %get3A_22 = vector.load %arg5[%get3A_20, %get3A_21] : memref<64x128xf32, #tpu.memory_space<vmem>>, vector<64x128xf32>
    %dot_general3A_23 = arith.constant dense<0.000000e+00> : vector<3200x128xf32>
    %dot_general3A_24 = tpu.matmul %mul3A, %get3A_22, %dot_general3A_23 {dimension_numbers = #tpu.dot_dimension_numbers<[1], [0], [0], [1], [0, 0, 1, 1], [], []>, precision = #tpu.contract_precision<fp32>, transpose_lhs_hint = false} : vector<3200x64xf32>, vector<64x128xf32>, vector<3200x128xf32> -> vector<3200x128xf32>
    %get3A_25 = arith.constant 0 : index
    %get3A_26 = arith.constant 0 : index
    %get3A_27 = vector.load %arg6[%get3A_25, %get3A_26] : memref<1x128xf32, #tpu.memory_space<vmem>>, vector<1x128xf32>
    %add3A_28 = vector.broadcast %get3A_27 : vector<1x128xf32> to vector<3200x128xf32>
    %add3A_29 = arith.addf %dot_general3A_24, %add3A_28 : vector<3200x128xf32>
    %max3A = arith.constant 0.000000e+00 : f32
    %max3A_30 = vector.broadcast %max3A : f32 to vector<3200x128xf32>
    %max3A_31 = arith.maximumf %add3A_29, %max3A_30 : vector<3200x128xf32>
    %convert_element_type3A = arith.truncf %max3A_31 : vector<3200x128xf32> to vector<3200x128xbf16>
    %convert_element_type3A_32 = arith.extf %convert_element_type3A : vector<3200x128xbf16> to vector<3200x128xf32>
    %get3A_33 = arith.constant 0 : index
    %get3A_34 = arith.constant 0 : index
    %get3A_35 = vector.load %arg7[%get3A_33, %get3A_34] : memref<128x8xf32, #tpu.memory_space<vmem>>, vector<128x8xf32>
    %dot_general3A_36 = arith.constant dense<0.000000e+00> : vector<3200x8xf32>
    %dot_general3A_37 = tpu.matmul %convert_element_type3A_32, %get3A_35, %dot_general3A_36 {dimension_numbers = #tpu.dot_dimension_numbers<[1], [0], [0], [1], [0, 0, 1, 1], [], []>, precision = #tpu.contract_precision<fp32>, transpose_lhs_hint = false} : vector<3200x128xf32>, vector<128x8xf32>, vector<3200x8xf32> -> vector<3200x8xf32>
    %mul3A_38 = arith.mulf %dot_general3A_37, %get3A_1 : vector<3200x8xf32>
    %swap3A = arith.constant 0 : index
    %swap3A_39 = arith.constant 0 : index
    %swap3A_40 = vector.load %arg8[%swap3A, %swap3A_39] : memref<3200x8xf32, #tpu.memory_space<vmem>>, vector<3200x8xf32>
    tpu.vector_store %arg8[%swap3A, %swap3A_39], %mul3A_38 {strides = array<i32>} : memref<3200x8xf32, #tpu.memory_space<vmem>>, vector<3200x8xf32>,
    return
  }
  func.func @transform_0(%arg0: i32) -> (i32, i32, i32) {
    %c0_i32 = arith.constant 0 : i32
    %c0_i32_0 = arith.constant 0 : i32
    %c0_i32_1 = arith.constant 0 : i32
    return %c0_i32, %arg0, %c0_i32_0 : i32, i32, i32
  }
  func.func @transform_1(%arg0: i32) -> (i32, i32) {
    %c0_i32 = arith.constant 0 : i32
    %c0_i32_0 = arith.constant 0 : i32
    return %arg0, %c0_i32 : i32, i32
  }
  func.func @transform_2(%arg0: i32) -> (i32, i32) {
    %c0_i32 = arith.constant 0 : i32
    %c0_i32_0 = arith.constant 0 : i32
    return %arg0, %c0_i32 : i32, i32
  }
  func.func @transform_3(%arg0: i32) -> (i32, i32) {
    %c0_i32 = arith.constant 0 : i32
    %c0_i32_0 = arith.constant 0 : i32
    %c0_i32_1 = arith.constant 0 : i32
    return %c0_i32, %c0_i32_0 : i32, i32
  }
  func.func @transform_4(%arg0: i32) -> (i32, i32) {
    %c0_i32 = arith.constant 0 : i32
    %c0_i32_0 = arith.constant 0 : i32
    %c0_i32_1 = arith.constant 0 : i32
    return %c0_i32, %c0_i32_0 : i32, i32
  }
  func.func @transform_5(%arg0: i32) -> (i32, i32) {
    %c0_i32 = arith.constant 0 : i32
    %c0_i32_0 = arith.constant 0 : i32
    %c0_i32_1 = arith.constant 0 : i32
    return %c0_i32, %c0_i32_0 : i32, i32
  }
  func.func @transform_6(%arg0: i32) -> (i32, i32) {
    %c0_i32 = arith.constant 0 : i32
    %c0_i32_0 = arith.constant 0 : i32
    %c0_i32_1 = arith.constant 0 : i32
    return %c0_i32, %c0_i32_0 : i32, i32
  }
  func.func @transform_7(%arg0: i32) -> (i32, i32) {
    %c0_i32 = arith.constant 0 : i32
    %c0_i32_0 = arith.constant 0 : i32
    return %arg0, %c0_i32 : i32, i32
  }
}

module attributes {stable_mosaic.version = 14 : i64} {
  func.func @_tc_node3(%arg0: memref<2x800x128xf32, #tpu.memory_space<vmem>>, %arg1: memref<800x128xf32, #tpu.memory_space<vmem>>, %arg2: memref<800x128xf32, #tpu.memory_space<vmem>>, %arg3: memref<1xf32, #tpu.memory_space<smem>>, %arg4: memref<800x128xf32, #tpu.memory_space<vmem>>) attributes {dimension_semantics = [], scalar_prefetch = 0 : i64, scratch_operands = 0 : i64, tpu.core_type = #tpu.core_type<tc>} {
    %get3A = arith.constant 0 : index
    %get3A_0 = arith.constant 0 : index
    %get3A_1 = vector.load %arg2[%get3A, %get3A_0] : memref<800x128xf32, #tpu.memory_space<vmem>>, vector<800x128xf32>
    %get3A_2 = arith.constant 0 : index
    %get3A_3 = arith.constant 0 : index
    %get3A_4 = arith.constant 0 : index
    %get3A_5 = vector.load %arg0[%get3A_2, %get3A_3, %get3A_4] : memref<2x800x128xf32, #tpu.memory_space<vmem>>, vector<1x800x128xf32>
    %get3A_6 = vector.shape_cast %get3A_5 : vector<1x800x128xf32> to vector<800x128xf32>
    %get3A_7 = arith.constant 1 : index
    %get3A_8 = arith.constant 0 : index
    %get3A_9 = arith.constant 0 : index
    %get3A_10 = vector.load %arg0[%get3A_7, %get3A_8, %get3A_9] : memref<2x800x128xf32, #tpu.memory_space<vmem>>, vector<1x800x128xf32>
    %get3A_11 = vector.shape_cast %get3A_10 : vector<1x800x128xf32> to vector<800x128xf32>
    %add3A = arith.addf %get3A_6, %get3A_11 : vector<800x128xf32>
    %get3A_12 = arith.constant 0 : index
    %get3A_13 = arith.constant 0 : index
    %get3A_14 = vector.load %arg1[%get3A_12, %get3A_13] : memref<800x128xf32, #tpu.memory_space<vmem>>, vector<800x128xf32>
    %add3A_15 = arith.addf %add3A, %get3A_14 : vector<800x128xf32>
    %mul3A = arith.mulf %get3A_1, %add3A_15 : vector<800x128xf32>
    %get3A_16 = arith.constant 0 : index
    %get3A_17 = memref.load %arg3[%get3A_16] : memref<1xf32, #tpu.memory_space<smem>>
    %add3A_18 = vector.broadcast %get3A_17 : f32 to vector<800x128xf32>
    %add3A_19 = arith.addf %mul3A, %add3A_18 : vector<800x128xf32>
    %swap3A = arith.constant 0 : index
    %swap3A_20 = arith.constant 0 : index
    %swap3A_21 = vector.load %arg4[%swap3A, %swap3A_20] : memref<800x128xf32, #tpu.memory_space<vmem>>, vector<800x128xf32>
    tpu.vector_store %arg4[%swap3A, %swap3A_20], %add3A_19 {strides = array<i32>} : memref<800x128xf32, #tpu.memory_space<vmem>>, vector<800x128xf32>,
    return
  }
}

</mosaic_0001>

<sc_bundles>
// kernel: kernel.11.cloned.1.call-start
scs
__scs_entry_jumppad:
0x0: {  	(pc) =	sbr.rel $0x88, $3  }
0x1: {  	(tag) =	ssettag $0x0;
	lr =	simm.s32 $0x1  }
0x2: {  	[smem:$0x3F9B] =	sst lr;
	_ =	strace $0xD0000000  }
0x3: {  	_ = 	snop  }
0x4: {  	_ = 	snop  }
0x5: {  	_ = 	snop  }
0x6: {  	_ = 	snop  }
0x7: {  	_ = 	snop  }
__scs_overlays_trampoline_lowered:
0x8: {  	[smem:$0x3FAA] =	sst s0  }
0x9: {  	[smem:$0x3FAB] =	sst s1  }
0xa: {  	[smem:$0x3FAC] =	sst s2  }
0xb: {  	[smem:$0x3FAD] =	sst s3  }
0xc: {  	[smem:$0x3FAE] =	sst s4  }
0xd: {  	[smem:$0x3FAF] =	sst s5  }
0xe: {  	[smem:$0x3FB0] =	sst s6  }
0xf: {  	[smem:$0x3FB1] =	sst s7  }
0x10: {  	[smem:$0x3FB2] =	sst s8  }
0x11: {  	[smem:$0x3FB3] =	sst s9;
	s0 =	simm.s32 @!p0 $0x0  }
0x12: {  	s1 =	sld [smem:$0x3F99];
	s0 =	simm.s32 @p0 $0x1  }
0x13: {  	[smem:$0x3FB4] =	sst s0;
	s0 =	simm.s32 @!p1 $0x0  }
0x14: {  	s2 =	sld [smem:$0x3F98];
	s0 =	simm.s32 @p1 $0x1  }
0x15: {  	[smem:$0x3FB5] =	sst s0;
	s0 =	simm.s32 @!p2 $0x0  }
0x16: {  	s3 =	sld [smem:$0x3FDB];
	s0 =	simm.s32 @p2 $0x1  }
0x17: {  	s4 =	simm.s32 $0x1BF5;
	[smem:$0x3FB7] =	sst s0  }
0x18: {  	s0 =	sld [smem:$0x3F9A];
	_ =	swait.ge [sflag:s4], $0x0  }
0x19: {  	s7 =	sld [smem:$0x3F9B]  }
0x1a: {  	s8 =	sadd.s32 $0xFFFFE003, lr  }
0x1b: {  	s9 =	sadd.s32 $0xFFFFFEF7, lr;
	s5 =	simm.s32 $0xFFFFFFFF;
	p2 =	slt.u32 s8, $0xFFFFF086  }
0x1c: {  	p1 =	slt.u32 s9, $0xF7A;
	s5 =	simm.s32 @!p2 $0x0  }
0x1d: {  	s5 =	simm.s32 @p1 $0x1;
	p0 =	seq.s32 s7, s2  }
0x1e: {  	s7 =	smul.u32 @!p0 $0xF7A, s2;
	p2 =	seq.s32 @!p0 s5, $0x0  }
0x1f: {  	s9 =	smul.u32 $0xF7A, s1;
	s8 =	simm.s32 @!p0 $0x1BF5;
	p2 =	por !p2, p0  }
0x20: {  	[sflag:s8] =	ssyncset.s32 @!p0 $0xFFFFF086;
	s6 =	sadd.s32 @!p0 s3, s7;
	s7 =	simm.s32 @!p0 $0x108  }
0x21: {  	s3 =	sadd.s32 s3, s9;
	s6 =	sadd.s32 @!p0 $0x88, s6;
	s7 =	simm.s32 @p2 $0x1082  }
0x22: {  	[simem:s7], [sflag:s8] =	dma.local @!p0 [hbm:s6], $0xF7A  }
0x23: {  	s9 =	sor.u32 $0xD0000000, s2;
	s6 =	simm.s32 $0x108;
	_ =	swait.ge @!p0 [sflag:s8], $0x0  }
0x24: {  	s3 =	sadd.s32 $0x88, s3;
	s6 =	simm.s32 @!p1 $0x1082;
	[sflag:s4] =	ssyncset.s32 $0xFFFFF086  }
0x25: {  	[simem:s6], [sflag:s4] =	dma.local [hbm:s3], $0xF7A  }
0x26: {  	[smem:$0x3F9B] =	sst s1;
	(tag) =	ssettag s2;
	_ =	strace s9  }
0x27: {  	s1 =	sld [smem:$0x3FAB]  }
0x28: {  	s2 =	sld [smem:$0x3FAC]  }
0x29: {  	s4 =	sld [smem:$0x3FAE]  }
0x2a: {  	p0 =	seq.s32 s5, $0x0;
	s5 =	sld [smem:$0x3FAF]  }
0x2b: {  	s6 =	sld [smem:$0x3FB0]  }
0x2c: {  	s7 =	sld [smem:$0x3FB1]  }
0x2d: {  	s3 =	simm.s32 $0x108;
	s8 =	sld [smem:$0x3FB2]  }
0x2e: {  	s3 =	simm.s32 @!p0 $0x1082;
	s9 =	sld [smem:$0x3FB3]  }
0x2f: {  	lr =	sadd.s32 s0, s3;
	s0 =	sld [smem:$0x3FAA]  }
0x30: {  	s3 =	sld [smem:$0x3FAD]  }
0x31: {  	[smem:$0x3FB6] =	sst s10  }
0x32: {  	s10 =	sld [smem:$0x3FB4];
	_ =	sdelay $0x3  }
0x33: {  	p0 =	seq.s32 s10, $0x1;
	s10 =	sld [smem:$0x3FB6];
	_ =	sdelay $0x3  }
0x34: {  	[smem:$0x3FB6] =	sst s10  }
0x35: {  	s10 =	sld [smem:$0x3FB5];
	_ =	sdelay $0x3  }
0x36: {  	p1 =	seq.s32 s10, $0x1;
	s10 =	sld [smem:$0x3FB6];
	_ =	sdelay $0x3  }
0x37: {  	[smem:$0x3FB6] =	sst s10  }
0x38: {  	s10 =	sld [smem:$0x3FB7]  }
0x39: {  	_ = 	snop;
	(pc) =	sbr.ind lr, $3  }
0x3a: {  	_ = 	snop  }
0x3b: {  	_ = 	snop  }
0x3c: {  	p2 =	seq.s32 s10, $0x1;
	s10 =	sld [smem:$0x3FB6]  }
0x3d: {  	_ =	shalt  }
0x3e: {  	_ =	shalt  }
0x3f: {  	_ =	shalt  }
0x40: {  	_ =	shalt  }
0x41: {  	_ =	shalt  }
0x42: {  	_ =	shalt  }
0x43: {  	_ =	shalt  }
0x44: {  	_ =	shalt  }
0x45: {  	_ =	shalt  }
0x46: {  	_ =	shalt  }
0x47: {  	_ =	shalt  }
0x48: {  	_ =	shalt  }
0x49: {  	_ =	shalt  }
0x4a: {  	_ =	shalt  }
0x4b: {  	_ =	shalt  }
0x4c: {  	_ =	shalt  }
0x4d: {  	_ =	shalt  }
0x4e: {  	_ =	shalt  }
0x4f: {  	_ =	shalt  }
0x50: {  	_ =	shalt  }
0x51: {  	_ =	shalt  }
0x52: {  	_ =	shalt  }
0x53: {  	_ =	shalt  }
0x54: {  	_ =	shalt  }
0x55: {  	_ =	shalt  }
0x56: {  	_ =	shalt  }
0x57: {  	_ =	shalt  }
0x58: {  	_ =	shalt  }
0x59: {  	_ =	shalt  }
0x5a: {  	_ =	shalt  }
0x5b: {  	_ =	shalt  }
0x5c: {  	_ =	shalt  }
0x5d: {  	_ =	shalt  }
0x5e: {  	_ =	shalt  }
0x5f: {  	_ =	shalt  }
0x60: {  	_ =	shalt  }
0x61: {  	_ =	shalt  }
0x62: {  	_ =	shalt  }
0x63: {  	_ =	shalt  }
0x64: {  	_ =	shalt  }
0x65: {  	_ =	shalt  }
0x66: {  	_ =	shalt  }
0x67: {  	_ =	shalt  }
0x68: {  	_ =	shalt  }
0x69: {  	_ =	shalt  }
0x6a: {  	_ =	shalt  }
0x6b: {  	_ =	shalt  }
0x6c: {  	_ =	shalt  }
0x6d: {  	_ =	shalt  }
0x6e: {  	_ =	shalt  }
0x6f: {  	_ =	shalt  }
0x70: {  	_ =	shalt  }
0x71: {  	_ =	shalt  }
0x72: {  	_ =	shalt  }
0x73: {  	_ =	shalt  }
0x74: {  	_ =	shalt  }
0x75: {  	_ =	shalt  }
0x76: {  	_ =	shalt  }
0x77: {  	_ =	shalt  }
0x78: {  	_ =	shalt  }
0x79: {  	_ =	shalt  }
0x7a: {  	_ =	shalt  }
0x7b: {  	_ =	shalt  }
0x7c: {  	_ =	shalt  }
0x7d: {  	_ =	shalt  }
0x7e: {  	_ =	shalt  }
0x7f: {  	_ =	shalt  }
0x80: {  	_ =	shalt  }
0x81: {  	_ =	shalt  }
0x82: {  	_ =	shalt  }
0x83: {  	_ =	shalt  }
0x84: {  	_ =	shalt  }
0x85: {  	_ =	shalt  }
0x86: {  	_ =	shalt  }
0x87: {  	_ =	shalt  }
.Lfunc_end0:
.L_simem_size_0:
called_computation.1_lowered:
.L_overlay_start_0:
0x88: {  	s2 =	sld [smem:$0x3FD9]  }
0x89: {  	s3 =	sld [smem:$0x3FFE];
	_ =	sdelay $0x1  }
0x8a: {  	s1 =	srdreg.scid  }
0x8b: {  	s0 =	sand.u32 $0x1, s1  }
0x8c: {  	s16 =	sshll.u32 s0, $0xA;
	s2 =	sadd.s32 s3, s2  }
0x8d: {  	s2 =	sadd.s32 s2, s16  }
0x8e: {  	[smem:$0x3FC2] =	sst s2  }
0x8f: {  	_ = 	snop  }
0x90: {  	(tm) =	ssettm $0x1  }
0x91: {  	s17 =	sld [smem:$0x3FFB];
	_ =	sdelay $0x3  }
0x92: {  	_ =	strace s17  }
0x93: {  	s2 =	sld [smem:$0x3FFC];
	_ =	sdelay $0x3  }
0x94: {  	_ =	strace s2  }
0x95: {  	s2 =	sld [smem:$0x3FFD];
	_ =	sdelay $0x3  }
0x96: {  	_ =	strace s2  }
0x97: {  	_ =	strace $0x8FFFFFFF  }
0x98: {  	s18 =	sld [smem:$0x3FDB];
	_ =	sdelay $0x1  }
0x99: {  	s19 =	simm.s32 $_scs_section_size  }
0x9a: {  	s4 =	simm.s32 $_size__tile_overlayer_lowered;
	s5 =	simm.s32 $_tile_overlayer_lowered  }
0x9b: {  	s22 =	simm.s32 $0x1BFF;
	s21 =	sshll.u32 s5, $0x1;
	s2 =	sadd.s32 s19, s18  }
0x9c: {  	s6 =	simm.s32 $0x0;
	s20 =	sshll.u32 s4, $0x1;
	s4 =	sadd.s32 s21, s2  }
0x9d: {  	[timem:s6], [sflag:s22] =	dma.local [hbm:s4], s20  }
0x9e: {  	_ =	swait.ge [sflag:s22], s20  }
0x9f: {  	s3 =	ssub.s32 $0x0, s20;
	[sflag:s22] =	ssyncset.done $0x0  }
0xa0: {  	[sflag:s22] =	ssyncadd.s32 s3;
	_ =	sdelay $0x1  }
0xa1: {  	s23 =	simm.s32 $0x1B8B  }
0xa2: {  	_ =	swait.ge [sflag:s23], $0x1  }
0xa3: {  	[sflag:s23] =	ssyncset.done $0x0  }
0xa4: {  	s25 =	simm.s32 $0x1B8E;
	s24 =	sld [smem:$0x3FFE];
	[sflag:s23] =	ssyncadd.s32 $0xFFFFFFFF  }
0xa5: {  	s26 =	simm.s32 $execute0_lowered;
	[smem:$0x3FD2] =	sst s25  }
0xa6: {  	s4 =	sshll.u32 s26, $0x1;
	_ =	strace $0x80000049;
	[dreg:$0x1] =	wrdreg $0xFFFFFFFF  }
0xa7: {  	s28 =	simm.s32 $_size_execute0_lowered;
	s2 =	sadd.s32 s2, s4;
	[dreg:$0x0] =	wrdreg $0x0  }
0xa8: {  	s4 =	sshll.u32 s28, $0x1;
	[dreg:$0x2] =	wrdreg s2  }
0xa9: {  	[dreg:$0x3] =	wrdreg s4  }
0xaa: {  	[dreg:$0x4] =	wrdreg $0xC0  }
0xab: {  	_ =	task [dreg:s6], $0x5FFFF  }
0xac: {  	[dreg:$0x1] =	wrdreg $0xFFFFFFFF  }
0xad: {  	[dreg:$0x0] =	wrdreg $0x60  }
0xae: {  	[dreg:$0x2] =	wrdreg s24  }
0xaf: {  	[dreg:$0x3] =	wrdreg $0x0  }
0xb0: {  	[dreg:$0x4] =	wrdreg $0xC8000  }
0xb1: {  	[dreg:$0x5] =	wrdreg $0x9  }
0xb2: {  	_ =	task.clear_ibuf [dreg:s6], $0x6FFFF;
	_ =	strace $0x90000049  }
0xb3: {  	s29 =	simm.s32 $0x9;
	_ =	strace $0x8000004B  }
0xb4: {  	_ =	swait.ge [sflag:s29], $0x1  }
0xb5: {  	[sflag:s29] =	ssyncadd.s32 $0xFFFFFFFF  }
0xb6: {  	_ =	strace $0x9000004B  }
0xb7: {  	_ =	sfence  }
0xb8: {  	s30 =	sld [smem:$0x0];
	_ =	sdelay $0x2  }
0xb9: {  	s31 =	sshll.u32 s1, $0xD;
	s1 =	sshrl.u32 s1, $0x2  }
0xba: {  	s3 =	sand.u32 $0x4000, s31;
	s1 =	sadd.s32 s1, s30  }
0xbb: {  	s0 =	sor.u32 s3, s0;
	s1 =	sshll.u32 s1, $0x11  }
0xbc: {  	s0 =	sor.u32 s1, s0  }
0xbd: {  	s0 =	sadd.s32 $0x8F2B, s0  }
0xbe: {  	[sflag:s0] =	ssyncadd.remote.s32 $0x1  }
0xbf: {  	_ =	sfence.sel $0xFFFF  }
0xc0: {  	[dreg:$0x0] =	wrdreg $0xFFFFFFFF;
	(pc) =	sbr.abs _section_cstart, $3  }
0xc1: {  	[dreg:$0x1] =	wrdreg $0xFFFFFFFF  }
0xc2: {  	_ =	task.clear_ibuf [dreg:s6], $0x2FFFF;
	_ =	strace $0x9FFFFFFF  }
0xc3: {  	(tm) =	ssettm $0x7FFFFFFF  }
tec
execute0_lowered:
.L_overlay_start_1:
0x0: {  	(tag) =	ssettag $0x1  }
0x1: {  	s0 =	rddreg [dreg:$0x0]  }
0x2: {  	s2 =	rddreg [dreg:$0x1]  }
0x3: {  	s3 =	rddreg [dreg:$0x2]  }
0x4: {  	s13 =	stileid.u32;
	s4 =	simm.s32 $0x0;
	s5 =	srdreg.scid  }
0x5: {  	s28 =	simm.s32 $0x3E8;
	s29 =	simm.s32 $0x19000;
	s30 =	simm.s32 $0x3  }
0x6: {  	s31 =	simm.s32 $0x2;
	s1 =	smul.u32 $0xC800, s13;
	[smem:$0x7FF] =	sst s4  }
0x7: {  	s7 =	sand.u32 $0x1, s5;
	s5 =	sadd.s32 $0xC5000, s0;
	s6 =	sadd.s32 $0x1A00, s0  }
0x8: {  	s17 =	sshll.u32 s13, $0x6;
	_ =	strace $0x8000004A;
	s9 =	smul.u32 $0xC8000, s7  }
0x9: {  	s15 =	ssub.s32 $0x2, s7;
	s11 =	sshll.u32 s7, $0x4;
	s7 =	smul.u32 $0x30D400, s7  }
0xa: {  	s8 =	sshrl.u32 s1, $0x3;
	s12 =	sshrl.u32 s15, $0x1;
	s11 =	sor.u32 s13, s11  }
0xb: {  	s16 =	sadd.s32 s1, s2;
	s13 =	smul.u32 $0x30D40, s13;
	s10 =	sadd.s32 s8, s0  }
0xc: {  	s14 =	sadd.s32 s1, s9;
	s9 =	ssub.s32 s15, s12;
	s11 =	smul.u32 $0x30D40, s11  }
0xd: {  	s1 =	sadd.s32 s1, s3;
	s8 =	sshrl.u32 s14, $0x3;
	s14 =	sadd.s32 $0x18B800, s10  }
0xe: {  	[dreg:$0x5] =	wrdreg s1;
	s18 =	sadd.s32 $0x1A4800, s10;
	s7 =	sadd.s32 s13, s7  }
0xf: {  	s26 =	smax.u32 s9, $0x1;
	s9 =	simm.s32 $0x6;
	s10 =	simm.s32 $0x0  }
0x10: {  	s0 =	sadd.s32 s8, s0;
	[dreg:$0x4] =	wrdreg s14;
	s8 =	sor.u32 $0x1C07, s17  }
0x11: {  	[dreg:$0x6] =	wrdreg s18;
	s19 =	sshrl.u32 s11, $0x3;
	s21 =	sadd.s32 $0x3E8, s11  }
0x12: {  	s23 =	sadd.s32 $0xBB8, s7;
	[dreg:$0xc] =	wrdreg s26;
	s26 =	simm.s32 $0x1  }
0x13: {  	s20 =	sadd.s32 s5, s19;
	s1 =	sadd.s32 s6, s19;
	s22 =	sshrl.u32 s21, $0x3  }
0x14: {  	s25 =	sshrl.u32 s23, $0x3;
	s0 =	sadd.s32 $0x1BD800, s0;
	s19 =	sadd.s32 $0x7D0, s7  }
0x15: {  	s21 =	simm.s32 $0x7;
	s23 =	simm.s32 $0x1D650;
	[dreg:$0x7] =	wrdreg s20  }
0x16: {  	s7 =	simm.s32 $0x5;
	[dreg:$0x8] =	wrdreg s1;
	s24 =	sadd.s32 s5, s22  }
0x17: {  	s1 =	sadd.s32 s6, s22;
	[dreg:$0xb] =	wrdreg s0;
	s17 =	sadd.s32 s25, s6  }
0x18: {  	s18 =	sadd.s32 s25, s5;
	s20 =	sshrl.u32 s16, $0x3;
	s22 =	simm.s32 $0x1CE80  }
0x19: {  	s25 =	simm.s32 $0x1DA38;
	s0 =	simm.s32 $0x1AF40;
	[dreg:$0x9] =	wrdreg s24  }
0x1a: {  	[dreg:$0xa] =	wrdreg s1;
	s24 =	simm.s32 $0x1D268;
	s1 =	simm.s32 $0x4  }
.LBB2_1:
0x1b: {  	s11 =	rddreg [dreg:$0x4]  }
0x1c: {  	[spmem:s20], [sflag:s8] =	dma.local [hbm:s11], $0x1900  }
0x1d: {  	_ =	swait.ge [sflag:s21], $0x1900  }
0x1e: {  	[sflag:s21] =	ssyncset.done $0x0;
	s13 =	rddreg [dreg:$0x5]  }
0x1f: {  	s12 =	rddreg [dreg:$0x6];
	[sflag:s21] =	ssyncadd.s32 $0xFFFFE700;
	s11 =	sshrl.u32 s13, $0x3  }
0x20: {  	[spmem:s11], [sflag:s8] =	dma.local [hbm:s12], $0x1900  }
0x21: {  	_ =	swait.ge [sflag:s21], $0x1900  }
0x22: {  	[sflag:s21] =	ssyncset.done $0x0  }
0x23: {  	[sflag:s21] =	ssyncadd.s32 $0xFFFFE700  }
0x24: {  	[bflag:$0x0] =	sbarrier.arrive $0xFFFF  }
0x25: {  	s14 =	rddreg [dreg:$0x7]  }
0x26: {  	[tilespmem:s22], [sflag:$0x1] =	stream.linear.gather [hbm4b:s14+s4], $0x3E8, $0x38;
	[tilespmem:$0x1DE20] =	vst v63  }
0x27: {  	s15 =	rddreg [dreg:$0x8]  }
0x28: {  	[tilespmem:s23], [sflag:$0x1] =	stream.linear.gather [hbm4b:s15+s4], $0x3E8, $0x38;
	[tilespmem:$0x1DE20] =	vst v63  }
0x29: {  	s16 =	rddreg [dreg:$0x9]  }
0x2a: {  	[tilespmem:s24], [sflag:$0x2] =	stream.linear.gather [hbm4b:s16+s4], $0x3E8, $0x38;
	[tilespmem:$0x1DE20] =	vst v63  }
0x2b: {  	s13 =	rddreg [dreg:$0xa]  }
0x2c: {  	[tilespmem:s25], [sflag:$0x2] =	stream.linear.gather [hbm4b:s13+s4], $0x3E8, $0x38;
	[tilespmem:$0x1DE20] =	vst v63  }
0x2d: {  	_ =	swait.ge [sflag:s26], $0x3E8  }
0x2e: {  	[sflag:s26] =	ssyncset.done $0x0  }
0x2f: {  	[sflag:s26] =	ssyncadd.s32 $0xFFFFFC18  }
0x30: {  	_ =	swait.ge [sflag:s26], $0x3E8  }
0x31: {  	[sflag:s26] =	ssyncset.done $0x0  }
0x32: {  	[sflag:s26] =	ssyncadd.s32 $0xFFFFFC18  }
0x33: {  	[tilespmem:s29], [sflag:$0x3] =	stream.indirect.gather [spmem:s2], $0x8, s22, s28, $0xb8;
	[tilespmem:$0x1DE20] =	vst v63  }
0x34: {  	_ =	swait.ge [sflag:s30], $0x1F40  }
0x35: {  	[sflag:s30] =	ssyncset.done $0x0  }
0x36: {  	[sflag:s30] =	ssyncadd.s32 $0xFFFFE0C0  }
0x37: {  	[spmem:s3] =	stream.indirect.scatter.add.f32 [tilespmem:s29], [sflag:$0x5], $0x8, s23, s28, $0xb8;
	[tilespmem:$0x1DE20] =	vst v63  }
0x38: {  	_ =	swait.ge [sflag:s31], $0x3E8  }
0x39: {  	[sflag:s31] =	ssyncset.done $0x0  }
0x3a: {  	[sflag:s31] =	ssyncadd.s32 $0xFFFFFC18  }
0x3b: {  	_ =	swait.ge [sflag:s31], $0x3E8  }
0x3c: {  	[sflag:s31] =	ssyncset.done $0x0  }
0x3d: {  	[sflag:s31] =	ssyncadd.s32 $0xFFFFFC18  }
0x3e: {  	[tilespmem:s0], [sflag:$0x4] =	stream.indirect.gather [spmem:s2], $0x8, s24, s28, $0xb8;
	[tilespmem:$0x1DE20] =	vst v63  }
0x3f: {  	_ =	swait.ge [sflag:s1], $0x1F40  }
0x40: {  	[sflag:s1] =	ssyncset.done $0x0  }
0x41: {  	[sflag:s1] =	ssyncadd.s32 $0xFFFFE0C0  }
0x42: {  	[spmem:s3] =	stream.indirect.scatter.add.f32 [tilespmem:s0], [sflag:$0x6], $0x8, s25, s28, $0xb8;
	[tilespmem:$0x1DE20] =	vst v63  }
0x43: {  	_ =	swait.ge [sflag:s7], $0x1F40  }
0x44: {  	s14 =	sshrl.u32 s19, $0x3;
	[sflag:s7] =	ssyncset.done $0x0  }
0x45: {  	s13 =	sadd.s32 s5, s14;
	[sflag:s7] =	ssyncadd.s32 $0xFFFFE0C0  }
0x46: {  	[tilespmem:s22], [sflag:$0x1] =	stream.linear.gather [hbm4b:s13+s4], $0x3E8, $0x38;
	[tilespmem:$0x1DE20] =	vst v63  }
0x47: {  	s12 =	sadd.s32 s6, s14  }
0x48: {  	[tilespmem:s23], [sflag:$0x1] =	stream.linear.gather [hbm4b:s12+s4], $0x3E8, $0x38;
	[tilespmem:$0x1DE20] =	vst v63  }
0x49: {  	_ =	swait.ge [sflag:s26], $0x3E8  }
0x4a: {  	[sflag:s26] =	ssyncset.done $0x0  }
0x4b: {  	[sflag:s26] =	ssyncadd.s32 $0xFFFFFC18  }
0x4c: {  	_ =	swait.ge [sflag:s26], $0x3E8  }
0x4d: {  	[sflag:s26] =	ssyncset.done $0x0  }
0x4e: {  	[sflag:s26] =	ssyncadd.s32 $0xFFFFFC18  }
0x4f: {  	[tilespmem:s29], [sflag:$0x3] =	stream.indirect.gather [spmem:s2], $0x8, s22, s28, $0xb8;
	[tilespmem:$0x1DE20] =	vst v63  }
0x50: {  	_ =	swait.ge [sflag:s30], $0x1F40  }
0x51: {  	[sflag:s30] =	ssyncset.done $0x0  }
0x52: {  	[sflag:s30] =	ssyncadd.s32 $0xFFFFE0C0  }
0x53: {  	[spmem:s3] =	stream.indirect.scatter.add.f32 [tilespmem:s29], [sflag:$0x5], $0x8, s23, s28, $0xb8;
	[tilespmem:$0x1DE20] =	vst v63  }
0x54: {  	_ =	swait.ge [sflag:s9], $0x1F40  }
0x55: {  	[sflag:s9] =	ssyncset.done $0x0  }
0x56: {  	s15 =	sadd.s32 $0x0, s18;
	[sflag:s9] =	ssyncadd.s32 $0xFFFFE0C0  }
0x57: {  	[tilespmem:s24], [sflag:$0x2] =	stream.linear.gather [hbm4b:s15+s4], $0x3E8, $0x38;
	[tilespmem:$0x1DE20] =	vst v63  }
0x58: {  	s16 =	sadd.s32 $0x0, s17  }
0x59: {  	[tilespmem:s25], [sflag:$0x2] =	stream.linear.gather [hbm4b:s16+s4], $0x3E8, $0x38;
	[tilespmem:$0x1DE20] =	vst v63  }
0x5a: {  	_ =	swait.ge [sflag:s31], $0x3E8  }
0x5b: {  	[sflag:s31] =	ssyncset.done $0x0  }
0x5c: {  	[sflag:s31] =	ssyncadd.s32 $0xFFFFFC18  }
0x5d: {  	_ =	swait.ge [sflag:s31], $0x3E8  }
0x5e: {  	[sflag:s31] =	ssyncset.done $0x0  }
0x5f: {  	[sflag:s31] =	ssyncadd.s32 $0xFFFFFC18  }
0x60: {  	[tilespmem:s0], [sflag:$0x4] =	stream.indirect.gather [spmem:s2], $0x8, s24, s28, $0xb8;
	[tilespmem:$0x1DE20] =	vst v63  }
0x61: {  	_ =	swait.ge [sflag:s1], $0x1F40  }
0x62: {  	[sflag:s1] =	ssyncset.done $0x0  }
0x63: {  	s13 =	sadd.s32 $0x7D0, s19;
	s12 =	simm.s32 $0xFA;
	[sflag:s1] =	ssyncadd.s32 $0xFFFFE0C0  }
.LBB2_2:
0x64: {  	[spmem:s3] =	stream.indirect.scatter.add.f32 [tilespmem:s0], [sflag:$0x6], $0x8, s25, s28, $0xb8;
	[tilespmem:$0x1DE20] =	vst v63  }
0x65: {  	s14 =	smov.u32 s12  }
0x66: {  	p0 =	sne.s32 s12, $0x5FB4;
	s12 =	sadd.s32 $0xFA, s12;
	_ =	swait.ge [sflag:s7], $0x1F40  }
0x67: {  	s15 =	sshrl.u32 s13, $0x3;
	[sflag:s7] =	ssyncset.done $0x0  }
0x68: {  	s16 =	sadd.s32 s5, s15;
	[sflag:s7] =	ssyncadd.s32 $0xFFFFE0C0  }
0x69: {  	[tilespmem:s22], [sflag:$0x1] =	stream.linear.gather [hbm4b:s16+s4], $0x3E8, $0x38;
	[tilespmem:$0x1DE20] =	vst v63  }
0x6a: {  	s15 =	sadd.s32 s6, s15  }
0x6b: {  	[tilespmem:s23], [sflag:$0x1] =	stream.linear.gather [hbm4b:s15+s4], $0x3E8, $0x38;
	[tilespmem:$0x1DE20] =	vst v63  }
0x6c: {  	_ =	swait.ge [sflag:s26], $0x3E8  }
0x6d: {  	[sflag:s26] =	ssyncset.done $0x0  }
0x6e: {  	[sflag:s26] =	ssyncadd.s32 $0xFFFFFC18  }
0x6f: {  	_ =	swait.ge [sflag:s26], $0x3E8  }
0x70: {  	[sflag:s26] =	ssyncset.done $0x0  }
0x71: {  	[sflag:s26] =	ssyncadd.s32 $0xFFFFFC18  }
0x72: {  	[tilespmem:s29], [sflag:$0x3] =	stream.indirect.gather [spmem:s2], $0x8, s22, s28, $0xb8;
	[tilespmem:$0x1DE20] =	vst v63  }
0x73: {  	_ =	swait.ge [sflag:s30], $0x1F40  }
0x74: {  	[sflag:s30] =	ssyncset.done $0x0  }
0x75: {  	[sflag:s30] =	ssyncadd.s32 $0xFFFFE0C0  }
0x76: {  	[spmem:s3] =	stream.indirect.scatter.add.f32 [tilespmem:s29], [sflag:$0x5], $0x8, s23, s28, $0xb8;
	[tilespmem:$0x1DE20] =	vst v63  }
0x77: {  	_ =	swait.ge [sflag:s9], $0x1F40  }
0x78: {  	[sflag:s9] =	ssyncset.done $0x0  }
0x79: {  	s15 =	sadd.s32 s14, s18;
	[sflag:s9] =	ssyncadd.s32 $0xFFFFE0C0  }
0x7a: {  	[tilespmem:s24], [sflag:$0x2] =	stream.linear.gather [hbm4b:s15+s4], $0x3E8, $0x38;
	[tilespmem:$0x1DE20] =	vst v63  }
0x7b: {  	s14 =	sadd.s32 s14, s17  }
0x7c: {  	[tilespmem:s25], [sflag:$0x2] =	stream.linear.gather [hbm4b:s14+s4], $0x3E8, $0x38;
	[tilespmem:$0x1DE20] =	vst v63  }
0x7d: {  	_ =	swait.ge [sflag:s31], $0x3E8  }
0x7e: {  	[sflag:s31] =	ssyncset.done $0x0  }
0x7f: {  	[sflag:s31] =	ssyncadd.s32 $0xFFFFFC18  }
0x80: {  	_ =	swait.ge [sflag:s31], $0x3E8  }
0x81: {  	[sflag:s31] =	ssyncset.done $0x0  }
.Ltmp0:
0x82: {  	[sflag:s31] =	ssyncadd.s32 $0xFFFFFC18;
	(pc) =	sbr.rel @p0 .LBB2_2-.Ltmp0, $4  }
0x83: {  	[tilespmem:s0], [sflag:$0x4] =	stream.indirect.gather [spmem:s2], $0x8, s24, s28, $0xb8;
	[tilespmem:$0x1DE20] =	vst v63  }
0x84: {  	_ =	swait.ge [sflag:s1], $0x1F40  }
0x85: {  	[sflag:s1] =	ssyncset.done $0x0  }
0x86: {  	s13 =	sadd.s32 $0x7D0, s13;
	[sflag:s1] =	ssyncadd.s32 $0xFFFFE0C0  }
0x87: {  	[spmem:s3] =	stream.indirect.scatter.add.f32 [tilespmem:s0], [sflag:$0x6], $0x8, s25, s28, $0xb8;
	[tilespmem:$0x1DE20] =	vst v63  }
0x88: {  	_ =	swait.ge [sflag:s7], $0x1F40  }
0x89: {  	[sflag:s7] =	ssyncset.done $0x0  }
0x8a: {  	[sflag:s7] =	ssyncadd.s32 $0xFFFFE0C0  }
0x8b: {  	_ =	swait.ge [sflag:s9], $0x1F40  }
0x8c: {  	[sflag:s9] =	ssyncset.done $0x0  }
0x8d: {  	[sflag:s9] =	ssyncadd.s32 $0xFFFFE0C0  }
0x8e: {  	[bflag:$0x0] =	sbarrier.arrive $0xFFFF  }
0x8f: {  	s12 =	rddreg [dreg:$0xb]  }
0x90: {  	[hbm:s12], [sflag:s8] =	dma.local [spmem:s11], $0x1900  }
0x91: {  	_ =	swait.ge [sflag:s21], $0x1900  }
0x92: {  	s10 =	sadd.s32 $0x1, s10;
	s16 =	rddreg [dreg:$0xc]  }
0x93: {  	p0 =	sne.s32 s10, s16  }
.Ltmp1:
0x94: {  	_ = 	snop;
	(pc) =	sbr.rel @p0 .LBB2_1-.Ltmp1, $3  }
0x95: {  	_ =	sdelay $0x1  }
0x96: {  	[sflag:s21] =	ssyncset.done $0x0  }
0x97: {  	[sflag:s21] =	ssyncadd.s32 $0xFFFFE700  }
0x98: {  	_ =	sfence.sel $0x180000  }
0x99: {  	[bflag:$0x0] =	sbarrier.arrive $0xFFFF  }
0x9a: {  	_ =	strace $0x9000004A  }
0x9b: {  	s0 =	stileid.u32;
	[bflag:$0x2] =	sbarrier.arrive $0xFFFF  }
0x9c: {  	p0 =	sne.s32 s0, $0x0;
	s0 =	rddreg [dreg:$0x3]  }
0x9d: {  	s0 =	sadd.s32 @!p0 $0x100000, s0  }
0x9e: {  	[sflag:s0] =	ssyncadd.tile.s32 @!p0 $0x1;
	_ =	shalt  }
.Lfunc_end2:
_tile_overlayer_lowered:
.L_overlay_start_2:
0x9f: {  	(tag) =	ssettag $0x2  }
0xa0: {  	s0 =	rddreg [dreg:$0x0];
	s2 =	stileid.u32  }
0xa1: {  	s1 =	rddreg [dreg:$0x1];
	p0 =	sne.s32 s2, $0x0  }
0xa2: {  	s3 =	rddreg [dreg:$0x2];
	[bflag:$0x3] =	sbarrier.arrive $0xFFFF;
	s2 =	simm.s32 @!p0 $0x1C07  }
0xa3: {  	[timem:s3], [sflag:s2] =	dma.local @!p0 [hbm:s0], s1  }
0xa4: {  	s0 =	simm.s32 @!p0 $0x7  }
0xa5: {  	_ =	swait.ge @!p0 [sflag:s0], s1  }
0xa6: {  	s1 =	ssub.s32 @!p0 $0x0, s1;
	[sflag:s0] =	ssyncset.done @!p0 $0x0  }
0xa7: {  	[sflag:s0] =	ssyncadd.s32 @!p0 s1  }
0xa8: {  	[bflag:$0x3] =	sbarrier.arrive $0xFFFF  }
0xa9: {  	_ =	shalt  }

// kernel: kernel.14.cloned.1.call-start
scs
__scs_entry_jumppad:
0x0: {  	(pc) =	sbr.rel $0x88, $3  }
0x1: {  	(tag) =	ssettag $0x0;
	lr =	simm.s32 $0x1  }
0x2: {  	[smem:$0x3F9B] =	sst lr;
	_ =	strace $0xD0000000  }
0x3: {  	_ = 	snop  }
0x4: {  	_ = 	snop  }
0x5: {  	_ = 	snop  }
0x6: {  	_ = 	snop  }
0x7: {  	_ = 	snop  }
__scs_overlays_trampoline_lowered:
0x8: {  	[smem:$0x3FAA] =	sst s0  }
0x9: {  	[smem:$0x3FAB] =	sst s1  }
0xa: {  	[smem:$0x3FAC] =	sst s2  }
0xb: {  	[smem:$0x3FAD] =	sst s3  }
0xc: {  	[smem:$0x3FAE] =	sst s4  }
0xd: {  	[smem:$0x3FAF] =	sst s5  }
0xe: {  	[smem:$0x3FB0] =	sst s6  }
0xf: {  	[smem:$0x3FB1] =	sst s7  }
0x10: {  	[smem:$0x3FB2] =	sst s8  }
0x11: {  	[smem:$0x3FB3] =	sst s9;
	s0 =	simm.s32 @!p0 $0x0  }
0x12: {  	s1 =	sld [smem:$0x3F99];
	s0 =	simm.s32 @p0 $0x1  }
0x13: {  	[smem:$0x3FB4] =	sst s0;
	s0 =	simm.s32 @!p1 $0x0  }
0x14: {  	s2 =	sld [smem:$0x3F98];
	s0 =	simm.s32 @p1 $0x1  }
0x15: {  	[smem:$0x3FB5] =	sst s0;
	s0 =	simm.s32 @!p2 $0x0  }
0x16: {  	s3 =	sld [smem:$0x3FDB];
	s0 =	simm.s32 @p2 $0x1  }
0x17: {  	s4 =	simm.s32 $0x1BF5;
	[smem:$0x3FB7] =	sst s0  }
0x18: {  	s0 =	sld [smem:$0x3F9A];
	_ =	swait.ge [sflag:s4], $0x0  }
0x19: {  	s7 =	sld [smem:$0x3F9B]  }
0x1a: {  	s8 =	sadd.s32 $0xFFFFE003, lr  }
0x1b: {  	s9 =	sadd.s32 $0xFFFFFEF7, lr;
	s5 =	simm.s32 $0xFFFFFFFF;
	p2 =	slt.u32 s8, $0xFFFFF086  }
0x1c: {  	p1 =	slt.u32 s9, $0xF7A;
	s5 =	simm.s32 @!p2 $0x0  }
0x1d: {  	s5 =	simm.s32 @p1 $0x1;
	p0 =	seq.s32 s7, s2  }
0x1e: {  	s7 =	smul.u32 @!p0 $0xF7A, s2;
	p2 =	seq.s32 @!p0 s5, $0x0  }
0x1f: {  	s9 =	smul.u32 $0xF7A, s1;
	s8 =	simm.s32 @!p0 $0x1BF5;
	p2 =	por !p2, p0  }
0x20: {  	[sflag:s8] =	ssyncset.s32 @!p0 $0xFFFFF086;
	s6 =	sadd.s32 @!p0 s3, s7;
	s7 =	simm.s32 @!p0 $0x108  }
0x21: {  	s3 =	sadd.s32 s3, s9;
	s6 =	sadd.s32 @!p0 $0x88, s6;
	s7 =	simm.s32 @p2 $0x1082  }
0x22: {  	[simem:s7], [sflag:s8] =	dma.local @!p0 [hbm:s6], $0xF7A  }
0x23: {  	s9 =	sor.u32 $0xD0000000, s2;
	s6 =	simm.s32 $0x108;
	_ =	swait.ge @!p0 [sflag:s8], $0x0  }
0x24: {  	s3 =	sadd.s32 $0x88, s3;
	s6 =	simm.s32 @!p1 $0x1082;
	[sflag:s4] =	ssyncset.s32 $0xFFFFF086  }
0x25: {  	[simem:s6], [sflag:s4] =	dma.local [hbm:s3], $0xF7A  }
0x26: {  	[smem:$0x3F9B] =	sst s1;
	(tag) =	ssettag s2;
	_ =	strace s9  }
0x27: {  	s1 =	sld [smem:$0x3FAB]  }
0x28: {  	s2 =	sld [smem:$0x3FAC]  }
0x29: {  	s4 =	sld [smem:$0x3FAE]  }
0x2a: {  	p0 =	seq.s32 s5, $0x0;
	s5 =	sld [smem:$0x3FAF]  }
0x2b: {  	s6 =	sld [smem:$0x3FB0]  }
0x2c: {  	s7 =	sld [smem:$0x3FB1]  }
0x2d: {  	s3 =	simm.s32 $0x108;
	s8 =	sld [smem:$0x3FB2]  }
0x2e: {  	s3 =	simm.s32 @!p0 $0x1082;
	s9 =	sld [smem:$0x3FB3]  }
0x2f: {  	lr =	sadd.s32 s0, s3;
	s0 =	sld [smem:$0x3FAA]  }
0x30: {  	s3 =	sld [smem:$0x3FAD]  }
0x31: {  	[smem:$0x3FB6] =	sst s10  }
0x32: {  	s10 =	sld [smem:$0x3FB4];
	_ =	sdelay $0x3  }
0x33: {  	p0 =	seq.s32 s10, $0x1;
	s10 =	sld [smem:$0x3FB6];
	_ =	sdelay $0x3  }
0x34: {  	[smem:$0x3FB6] =	sst s10  }
0x35: {  	s10 =	sld [smem:$0x3FB5];
	_ =	sdelay $0x3  }
0x36: {  	p1 =	seq.s32 s10, $0x1;
	s10 =	sld [smem:$0x3FB6];
	_ =	sdelay $0x3  }
0x37: {  	[smem:$0x3FB6] =	sst s10  }
0x38: {  	s10 =	sld [smem:$0x3FB7]  }
0x39: {  	_ = 	snop;
	(pc) =	sbr.ind lr, $3  }
0x3a: {  	_ = 	snop  }
0x3b: {  	_ = 	snop  }
0x3c: {  	p2 =	seq.s32 s10, $0x1;
	s10 =	sld [smem:$0x3FB6]  }
0x3d: {  	_ =	shalt  }
0x3e: {  	_ =	shalt  }
0x3f: {  	_ =	shalt  }
0x40: {  	_ =	shalt  }
0x41: {  	_ =	shalt  }
0x42: {  	_ =	shalt  }
0x43: {  	_ =	shalt  }
0x44: {  	_ =	shalt  }
0x45: {  	_ =	shalt  }
0x46: {  	_ =	shalt  }
0x47: {  	_ =	shalt  }
0x48: {  	_ =	shalt  }
0x49: {  	_ =	shalt  }
0x4a: {  	_ =	shalt  }
0x4b: {  	_ =	shalt  }
0x4c: {  	_ =	shalt  }
0x4d: {  	_ =	shalt  }
0x4e: {  	_ =	shalt  }
0x4f: {  	_ =	shalt  }
0x50: {  	_ =	shalt  }
0x51: {  	_ =	shalt  }
0x52: {  	_ =	shalt  }
0x53: {  	_ =	shalt  }
0x54: {  	_ =	shalt  }
0x55: {  	_ =	shalt  }
0x56: {  	_ =	shalt  }
0x57: {  	_ =	shalt  }
0x58: {  	_ =	shalt  }
0x59: {  	_ =	shalt  }
0x5a: {  	_ =	shalt  }
0x5b: {  	_ =	shalt  }
0x5c: {  	_ =	shalt  }
0x5d: {  	_ =	shalt  }
0x5e: {  	_ =	shalt  }
0x5f: {  	_ =	shalt  }
0x60: {  	_ =	shalt  }
0x61: {  	_ =	shalt  }
0x62: {  	_ =	shalt  }
0x63: {  	_ =	shalt  }
0x64: {  	_ =	shalt  }
0x65: {  	_ =	shalt  }
0x66: {  	_ =	shalt  }
0x67: {  	_ =	shalt  }
0x68: {  	_ =	shalt  }
0x69: {  	_ =	shalt  }
0x6a: {  	_ =	shalt  }
0x6b: {  	_ =	shalt  }
0x6c: {  	_ =	shalt  }
0x6d: {  	_ =	shalt  }
0x6e: {  	_ =	shalt  }
0x6f: {  	_ =	shalt  }
0x70: {  	_ =	shalt  }
0x71: {  	_ =	shalt  }
0x72: {  	_ =	shalt  }
0x73: {  	_ =	shalt  }
0x74: {  	_ =	shalt  }
0x75: {  	_ =	shalt  }
0x76: {  	_ =	shalt  }
0x77: {  	_ =	shalt  }
0x78: {  	_ =	shalt  }
0x79: {  	_ =	shalt  }
0x7a: {  	_ =	shalt  }
0x7b: {  	_ =	shalt  }
0x7c: {  	_ =	shalt  }
0x7d: {  	_ =	shalt  }
0x7e: {  	_ =	shalt  }
0x7f: {  	_ =	shalt  }
0x80: {  	_ =	shalt  }
0x81: {  	_ =	shalt  }
0x82: {  	_ =	shalt  }
0x83: {  	_ =	shalt  }
0x84: {  	_ =	shalt  }
0x85: {  	_ =	shalt  }
0x86: {  	_ =	shalt  }
0x87: {  	_ =	shalt  }
.Lfunc_end0:
.L_simem_size_0:
called_computation.2_lowered:
.L_overlay_start_0:
0x88: {  	s2 =	sld [smem:$0x3FD9]  }
0x89: {  	s3 =	sld [smem:$0x3FFE];
	_ =	sdelay $0x1  }
0x8a: {  	s1 =	srdreg.scid  }
0x8b: {  	s0 =	sand.u32 $0x1, s1  }
0x8c: {  	s16 =	sshll.u32 s0, $0xA;
	s2 =	sadd.s32 s3, s2  }
0x8d: {  	s2 =	sadd.s32 s2, s16  }
0x8e: {  	[smem:$0x3FC2] =	sst s2  }
0x8f: {  	_ = 	snop  }
0x90: {  	(tm) =	ssettm $0x1  }
0x91: {  	s17 =	sld [smem:$0x3FFB];
	_ =	sdelay $0x3  }
0x92: {  	_ =	strace s17  }
0x93: {  	s2 =	sld [smem:$0x3FFC];
	_ =	sdelay $0x3  }
0x94: {  	_ =	strace s2  }
0x95: {  	s2 =	sld [smem:$0x3FFD];
	_ =	sdelay $0x3  }
0x96: {  	_ =	strace s2  }
0x97: {  	_ =	strace $0x8FFFFFFF  }
0x98: {  	s18 =	sld [smem:$0x3FDB];
	_ =	sdelay $0x1  }
0x99: {  	s19 =	simm.s32 $_scs_section_size  }
0x9a: {  	s4 =	simm.s32 $_size__tile_overlayer_lowered;
	s5 =	simm.s32 $_tile_overlayer_lowered  }
0x9b: {  	s22 =	simm.s32 $0x1BFF;
	s21 =	sshll.u32 s5, $0x1;
	s2 =	sadd.s32 s19, s18  }
0x9c: {  	s6 =	simm.s32 $0x0;
	s20 =	sshll.u32 s4, $0x1;
	s4 =	sadd.s32 s21, s2  }
0x9d: {  	[timem:s6], [sflag:s22] =	dma.local [hbm:s4], s20  }
0x9e: {  	_ =	swait.ge [sflag:s22], s20  }
0x9f: {  	s3 =	ssub.s32 $0x0, s20;
	[sflag:s22] =	ssyncset.done $0x0  }
0xa0: {  	[sflag:s22] =	ssyncadd.s32 s3;
	_ =	sdelay $0x1  }
0xa1: {  	s23 =	simm.s32 $0x1B8B  }
0xa2: {  	_ =	swait.ge [sflag:s23], $0x1  }
0xa3: {  	[sflag:s23] =	ssyncset.done $0x0  }
0xa4: {  	s25 =	simm.s32 $0x1B8E;
	s24 =	sld [smem:$0x3FFE];
	[sflag:s23] =	ssyncadd.s32 $0xFFFFFFFF  }
0xa5: {  	s26 =	simm.s32 $execute0_lowered;
	[smem:$0x3FD2] =	sst s25  }
0xa6: {  	s4 =	sshll.u32 s26, $0x1;
	_ =	strace $0x8000004C;
	[dreg:$0x1] =	wrdreg $0xFFFFFFFF  }
0xa7: {  	s28 =	simm.s32 $_size_execute0_lowered;
	s2 =	sadd.s32 s2, s4;
	[dreg:$0x0] =	wrdreg $0x0  }
0xa8: {  	s4 =	sshll.u32 s28, $0x1;
	[dreg:$0x2] =	wrdreg s2  }
0xa9: {  	[dreg:$0x3] =	wrdreg s4  }
0xaa: {  	[dreg:$0x4] =	wrdreg $0xC0  }
0xab: {  	_ =	task [dreg:s6], $0x5FFFF  }
0xac: {  	[dreg:$0x1] =	wrdreg $0xFFFFFFFF  }
0xad: {  	[dreg:$0x0] =	wrdreg $0x60  }
0xae: {  	[dreg:$0x2] =	wrdreg s24  }
0xaf: {  	[dreg:$0x3] =	wrdreg $0x0  }
0xb0: {  	[dreg:$0x4] =	wrdreg $0x19000  }
0xb1: {  	[dreg:$0x5] =	wrdreg $0x9  }
0xb2: {  	_ =	task.clear_ibuf [dreg:s6], $0x6FFFF;
	_ =	strace $0x9000004C  }
0xb3: {  	s29 =	simm.s32 $0x9;
	_ =	strace $0x8000004E  }
0xb4: {  	_ =	swait.ge [sflag:s29], $0x1  }
0xb5: {  	[sflag:s29] =	ssyncadd.s32 $0xFFFFFFFF  }
0xb6: {  	_ =	strace $0x9000004E  }
0xb7: {  	_ =	sfence  }
0xb8: {  	s30 =	sld [smem:$0x0];
	_ =	sdelay $0x2  }
0xb9: {  	s31 =	sshll.u32 s1, $0xD;
	s1 =	sshrl.u32 s1, $0x2  }
0xba: {  	s3 =	sand.u32 $0x4000, s31;
	s1 =	sadd.s32 s1, s30  }
0xbb: {  	s0 =	sor.u32 s3, s0;
	s1 =	sshll.u32 s1, $0x11  }
0xbc: {  	s0 =	sor.u32 s1, s0  }
0xbd: {  	s0 =	sadd.s32 $0x8F2B, s0  }
0xbe: {  	[sflag:s0] =	ssyncadd.remote.s32 $0x1  }
0xbf: {  	_ =	sfence.sel $0xFFFF  }
0xc0: {  	[dreg:$0x0] =	wrdreg $0xFFFFFFFF;
	(pc) =	sbr.abs _section_cstart, $3  }
0xc1: {  	[dreg:$0x1] =	wrdreg $0xFFFFFFFF  }
0xc2: {  	_ =	task.clear_ibuf [dreg:s6], $0x2FFFF;
	_ =	strace $0x9FFFFFFF  }
0xc3: {  	(tm) =	ssettm $0x7FFFFFFF  }
tec
execute0_lowered:
.L_overlay_start_1:
0x0: {  	(tag) =	ssettag $0x1  }
0x1: {  	s0 =	rddreg [dreg:$0x0]  }
0x2: {  	s2 =	rddreg [dreg:$0x1]  }
0x3: {  	s3 =	rddreg [dreg:$0x2];
	s4 =	simm.s32 $0x0;
	s13 =	stileid.u32  }
0x4: {  	s1 =	srdreg.scid;
	s28 =	simm.s32 $0xFA0;
	s29 =	simm.s32 $0x3200  }
0x5: {  	s30 =	simm.s32 $0x3;
	s31 =	simm.s32 $0x2;
	[smem:$0x7FF] =	sst s4  }
0x6: {  	s7 =	smul.u32 $0x1900, s13;
	s1 =	sand.u32 $0x1, s1;
	s5 =	sadd.s32 $0xC5000, s0  }
0x7: {  	s6 =	sadd.s32 $0x1A00, s0;
	s19 =	sshll.u32 s13, $0x6;
	_ =	strace $0x8000004D  }
0x8: {  	s8 =	smul.u32 $0x19000, s1;
	s10 =	sshll.u32 s1, $0x4;
	s11 =	ssub.s32 $0x2, s1  }
0x9: {  	s1 =	smul.u32 $0x30D400, s1;
	s9 =	sshrl.u32 s7, $0x3;
	s10 =	sor.u32 s13, s10  }
0xa: {  	s17 =	sshrl.u32 s11, $0x1;
	s12 =	sadd.s32 s7, s2;
	s13 =	smul.u32 $0x30D40, s13  }
0xb: {  	s9 =	sadd.s32 s9, s0;
	s8 =	sadd.s32 s7, s8;
	s10 =	smul.u32 $0x30D40, s10  }
0xc: {  	s11 =	ssub.s32 s11, s17;
	s7 =	sadd.s32 s7, s3;
	s8 =	sshrl.u32 s8, $0x3  }
0xd: {  	s18 =	sadd.s32 $0x18B800, s9;
	[dreg:$0x5] =	wrdreg s7;
	s9 =	sadd.s32 $0x188600, s9  }
0xe: {  	s1 =	sadd.s32 s13, s1;
	s26 =	smax.u32 s11, $0x1;
	[dreg:$0x4] =	wrdreg s18  }
0xf: {  	s0 =	sadd.s32 s8, s0;
	s8 =	sor.u32 $0x1C07, s19;
	[dreg:$0x6] =	wrdreg s9  }
0x10: {  	s20 =	sshrl.u32 s10, $0x3;
	s23 =	sadd.s32 $0x2EE0, s1;
	[dreg:$0xc] =	wrdreg s26  }
0x11: {  	s19 =	sadd.s32 $0x1F40, s1;
	s26 =	simm.s32 $0x1;
	s1 =	simm.s32 $0x4  }
0x12: {  	s9 =	simm.s32 $0x6;
	s10 =	simm.s32 $0x0;
	s21 =	sadd.s32 s5, s20  }
0x13: {  	s22 =	sadd.s32 s6, s20;
	s7 =	sadd.s32 $0x1F4, s20;
	s25 =	sshrl.u32 s23, $0x3  }
0x14: {  	s0 =	sadd.s32 $0x18EA00, s0;
	s20 =	sshrl.u32 s12, $0x3;
	[dreg:$0x7] =	wrdreg s21  }
0x15: {  	s23 =	simm.s32 $0x7080;
	[dreg:$0x8] =	wrdreg s22;
	s24 =	sadd.s32 s5, s7  }
0x16: {  	s7 =	sadd.s32 s6, s7;
	[dreg:$0xb] =	wrdreg s0;
	s17 =	sadd.s32 s25, s6  }
0x17: {  	s18 =	sadd.s32 s25, s5;
	s21 =	simm.s32 $0x7;
	s22 =	simm.s32 $0x5140  }
0x18: {  	s25 =	simm.s32 $0x8020;
	s0 =	simm.s32 $0x41A0;
	[dreg:$0x9] =	wrdreg s24  }
0x19: {  	[dreg:$0xa] =	wrdreg s7;
	s24 =	simm.s32 $0x60E0;
	s7 =	simm.s32 $0x5  }
.LBB2_1:
0x1a: {  	s11 =	rddreg [dreg:$0x4]  }
0x1b: {  	[spmem:s20], [sflag:s8] =	dma.local [hbm:s11], $0x320  }
0x1c: {  	_ =	swait.ge [sflag:s21], $0x320  }
0x1d: {  	[sflag:s21] =	ssyncset.done $0x0;
	s13 =	rddreg [dreg:$0x5]  }
0x1e: {  	s12 =	rddreg [dreg:$0x6];
	[sflag:s21] =	ssyncadd.s32 $0xFFFFFCE0;
	s11 =	sshrl.u32 s13, $0x3  }
0x1f: {  	[spmem:s11], [sflag:s8] =	dma.local [hbm:s12], $0x320  }
0x20: {  	_ =	swait.ge [sflag:s21], $0x320  }
0x21: {  	[sflag:s21] =	ssyncset.done $0x0  }
0x22: {  	[sflag:s21] =	ssyncadd.s32 $0xFFFFFCE0  }
0x23: {  	[bflag:$0x0] =	sbarrier.arrive $0xFFFF  }
0x24: {  	s14 =	rddreg [dreg:$0x7]  }
0x25: {  	[tilespmem:s22], [sflag:$0x1] =	stream.linear.gather [hbm4b:s14+s4], $0xFA0, $0x38;
	[tilespmem:$0x8FC0] =	vst v63  }
0x26: {  	s15 =	rddreg [dreg:$0x8]  }
0x27: {  	[tilespmem:s23], [sflag:$0x1] =	stream.linear.gather [hbm4b:s15+s4], $0xFA0, $0x38;
	[tilespmem:$0x8FC0] =	vst v63  }
0x28: {  	s16 =	rddreg [dreg:$0x9]  }
0x29: {  	[tilespmem:s24], [sflag:$0x2] =	stream.linear.gather [hbm4b:s16+s4], $0xFA0, $0x38;
	[tilespmem:$0x8FC0] =	vst v63  }
0x2a: {  	s13 =	rddreg [dreg:$0xa]  }
0x2b: {  	[tilespmem:s25], [sflag:$0x2] =	stream.linear.gather [hbm4b:s13+s4], $0xFA0, $0x38;
	[tilespmem:$0x8FC0] =	vst v63  }
0x2c: {  	_ =	swait.ge [sflag:s26], $0xFA0  }
0x2d: {  	[sflag:s26] =	ssyncset.done $0x0  }
0x2e: {  	[sflag:s26] =	ssyncadd.s32 $0xFFFFF060  }
0x2f: {  	_ =	swait.ge [sflag:s26], $0xFA0  }
0x30: {  	[sflag:s26] =	ssyncset.done $0x0  }
0x31: {  	[sflag:s26] =	ssyncadd.s32 $0xFFFFF060  }
0x32: {  	[tilespmem:s29], [sflag:$0x3] =	stream.indirect.gather [spmem:s2], $0x1, s22, s28, $0xb8;
	[tilespmem:$0x8FC0] =	vst v63  }
0x33: {  	_ =	swait.ge [sflag:s30], $0xFA0  }
0x34: {  	[sflag:s30] =	ssyncset.done $0x0  }
0x35: {  	[sflag:s30] =	ssyncadd.s32 $0xFFFFF060  }
0x36: {  	[spmem:s3] =	stream.indirect.scatter.add.f32 [tilespmem:s29], [sflag:$0x5], $0x1, s23, s28, $0xb8;
	[tilespmem:$0x8FC0] =	vst v63  }
0x37: {  	_ =	swait.ge [sflag:s31], $0xFA0  }
0x38: {  	[sflag:s31] =	ssyncset.done $0x0  }
0x39: {  	[sflag:s31] =	ssyncadd.s32 $0xFFFFF060  }
0x3a: {  	_ =	swait.ge [sflag:s31], $0xFA0  }
0x3b: {  	[sflag:s31] =	ssyncset.done $0x0  }
0x3c: {  	[sflag:s31] =	ssyncadd.s32 $0xFFFFF060  }
0x3d: {  	[tilespmem:s0], [sflag:$0x4] =	stream.indirect.gather [spmem:s2], $0x1, s24, s28, $0xb8;
	[tilespmem:$0x8FC0] =	vst v63  }
0x3e: {  	_ =	swait.ge [sflag:s1], $0xFA0  }
0x3f: {  	[sflag:s1] =	ssyncset.done $0x0  }
0x40: {  	[sflag:s1] =	ssyncadd.s32 $0xFFFFF060  }
0x41: {  	[spmem:s3] =	stream.indirect.scatter.add.f32 [tilespmem:s0], [sflag:$0x6], $0x1, s25, s28, $0xb8;
	[tilespmem:$0x8FC0] =	vst v63  }
0x42: {  	_ =	swait.ge [sflag:s7], $0xFA0  }
0x43: {  	s14 =	sshrl.u32 s19, $0x3;
	[sflag:s7] =	ssyncset.done $0x0  }
0x44: {  	s13 =	sadd.s32 s5, s14;
	[sflag:s7] =	ssyncadd.s32 $0xFFFFF060  }
0x45: {  	[tilespmem:s22], [sflag:$0x1] =	stream.linear.gather [hbm4b:s13+s4], $0xFA0, $0x38;
	[tilespmem:$0x8FC0] =	vst v63  }
0x46: {  	s12 =	sadd.s32 s6, s14  }
0x47: {  	[tilespmem:s23], [sflag:$0x1] =	stream.linear.gather [hbm4b:s12+s4], $0xFA0, $0x38;
	[tilespmem:$0x8FC0] =	vst v63  }
0x48: {  	_ =	swait.ge [sflag:s26], $0xFA0  }
0x49: {  	[sflag:s26] =	ssyncset.done $0x0  }
0x4a: {  	[sflag:s26] =	ssyncadd.s32 $0xFFFFF060  }
0x4b: {  	_ =	swait.ge [sflag:s26], $0xFA0  }
0x4c: {  	[sflag:s26] =	ssyncset.done $0x0  }
0x4d: {  	[sflag:s26] =	ssyncadd.s32 $0xFFFFF060  }
0x4e: {  	[tilespmem:s29], [sflag:$0x3] =	stream.indirect.gather [spmem:s2], $0x1, s22, s28, $0xb8;
	[tilespmem:$0x8FC0] =	vst v63  }
0x4f: {  	_ =	swait.ge [sflag:s30], $0xFA0  }
0x50: {  	[sflag:s30] =	ssyncset.done $0x0  }
0x51: {  	[sflag:s30] =	ssyncadd.s32 $0xFFFFF060  }
0x52: {  	[spmem:s3] =	stream.indirect.scatter.add.f32 [tilespmem:s29], [sflag:$0x5], $0x1, s23, s28, $0xb8;
	[tilespmem:$0x8FC0] =	vst v63  }
0x53: {  	_ =	swait.ge [sflag:s9], $0xFA0  }
0x54: {  	[sflag:s9] =	ssyncset.done $0x0  }
0x55: {  	s15 =	sadd.s32 $0x0, s18;
	[sflag:s9] =	ssyncadd.s32 $0xFFFFF060  }
0x56: {  	[tilespmem:s24], [sflag:$0x2] =	stream.linear.gather [hbm4b:s15+s4], $0xFA0, $0x38;
	[tilespmem:$0x8FC0] =	vst v63  }
0x57: {  	s16 =	sadd.s32 $0x0, s17  }
0x58: {  	[tilespmem:s25], [sflag:$0x2] =	stream.linear.gather [hbm4b:s16+s4], $0xFA0, $0x38;
	[tilespmem:$0x8FC0] =	vst v63  }
0x59: {  	_ =	swait.ge [sflag:s31], $0xFA0  }
0x5a: {  	[sflag:s31] =	ssyncset.done $0x0  }
0x5b: {  	[sflag:s31] =	ssyncadd.s32 $0xFFFFF060  }
0x5c: {  	_ =	swait.ge [sflag:s31], $0xFA0  }
0x5d: {  	[sflag:s31] =	ssyncset.done $0x0  }
0x5e: {  	[sflag:s31] =	ssyncadd.s32 $0xFFFFF060  }
0x5f: {  	[tilespmem:s0], [sflag:$0x4] =	stream.indirect.gather [spmem:s2], $0x1, s24, s28, $0xb8;
	[tilespmem:$0x8FC0] =	vst v63  }
0x60: {  	_ =	swait.ge [sflag:s1], $0xFA0  }
0x61: {  	[sflag:s1] =	ssyncset.done $0x0  }
0x62: {  	s13 =	sadd.s32 $0x1F40, s19;
	s12 =	simm.s32 $0x3E8;
	[sflag:s1] =	ssyncadd.s32 $0xFFFFF060  }
.LBB2_2:
0x63: {  	[spmem:s3] =	stream.indirect.scatter.add.f32 [tilespmem:s0], [sflag:$0x6], $0x1, s25, s28, $0xb8;
	[tilespmem:$0x8FC0] =	vst v63  }
0x64: {  	s14 =	smov.u32 s12  }
0x65: {  	p0 =	sne.s32 s12, $0x59D8;
	s12 =	sadd.s32 $0x3E8, s12;
	_ =	swait.ge [sflag:s7], $0xFA0  }
0x66: {  	s15 =	sshrl.u32 s13, $0x3;
	[sflag:s7] =	ssyncset.done $0x0  }
0x67: {  	s16 =	sadd.s32 s5, s15;
	[sflag:s7] =	ssyncadd.s32 $0xFFFFF060  }
0x68: {  	[tilespmem:s22], [sflag:$0x1] =	stream.linear.gather [hbm4b:s16+s4], $0xFA0, $0x38;
	[tilespmem:$0x8FC0] =	vst v63  }
0x69: {  	s15 =	sadd.s32 s6, s15  }
0x6a: {  	[tilespmem:s23], [sflag:$0x1] =	stream.linear.gather [hbm4b:s15+s4], $0xFA0, $0x38;
	[tilespmem:$0x8FC0] =	vst v63  }
0x6b: {  	_ =	swait.ge [sflag:s26], $0xFA0  }
0x6c: {  	[sflag:s26] =	ssyncset.done $0x0  }
0x6d: {  	[sflag:s26] =	ssyncadd.s32 $0xFFFFF060  }
0x6e: {  	_ =	swait.ge [sflag:s26], $0xFA0  }
0x6f: {  	[sflag:s26] =	ssyncset.done $0x0  }
0x70: {  	[sflag:s26] =	ssyncadd.s32 $0xFFFFF060  }
0x71: {  	[tilespmem:s29], [sflag:$0x3] =	stream.indirect.gather [spmem:s2], $0x1, s22, s28, $0xb8;
	[tilespmem:$0x8FC0] =	vst v63  }
0x72: {  	_ =	swait.ge [sflag:s30], $0xFA0  }
0x73: {  	[sflag:s30] =	ssyncset.done $0x0  }
0x74: {  	[sflag:s30] =	ssyncadd.s32 $0xFFFFF060  }
0x75: {  	[spmem:s3] =	stream.indirect.scatter.add.f32 [tilespmem:s29], [sflag:$0x5], $0x1, s23, s28, $0xb8;
	[tilespmem:$0x8FC0] =	vst v63  }
0x76: {  	_ =	swait.ge [sflag:s9], $0xFA0  }
0x77: {  	[sflag:s9] =	ssyncset.done $0x0  }
0x78: {  	s15 =	sadd.s32 s14, s18;
	[sflag:s9] =	ssyncadd.s32 $0xFFFFF060  }
0x79: {  	[tilespmem:s24], [sflag:$0x2] =	stream.linear.gather [hbm4b:s15+s4], $0xFA0, $0x38;
	[tilespmem:$0x8FC0] =	vst v63  }
0x7a: {  	s14 =	sadd.s32 s14, s17  }
0x7b: {  	[tilespmem:s25], [sflag:$0x2] =	stream.linear.gather [hbm4b:s14+s4], $0xFA0, $0x38;
	[tilespmem:$0x8FC0] =	vst v63  }
0x7c: {  	_ =	swait.ge [sflag:s31], $0xFA0  }
0x7d: {  	[sflag:s31] =	ssyncset.done $0x0  }
0x7e: {  	[sflag:s31] =	ssyncadd.s32 $0xFFFFF060  }
0x7f: {  	_ =	swait.ge [sflag:s31], $0xFA0  }
0x80: {  	[sflag:s31] =	ssyncset.done $0x0  }
.Ltmp0:
0x81: {  	[sflag:s31] =	ssyncadd.s32 $0xFFFFF060;
	(pc) =	sbr.rel @p0 .LBB2_2-.Ltmp0, $4  }
0x82: {  	[tilespmem:s0], [sflag:$0x4] =	stream.indirect.gather [spmem:s2], $0x1, s24, s28, $0xb8;
	[tilespmem:$0x8FC0] =	vst v63  }
0x83: {  	_ =	swait.ge [sflag:s1], $0xFA0  }
0x84: {  	[sflag:s1] =	ssyncset.done $0x0  }
0x85: {  	s13 =	sadd.s32 $0x1F40, s13;
	[sflag:s1] =	ssyncadd.s32 $0xFFFFF060  }
0x86: {  	[spmem:s3] =	stream.indirect.scatter.add.f32 [tilespmem:s0], [sflag:$0x6], $0x1, s25, s28, $0xb8;
	[tilespmem:$0x8FC0] =	vst v63  }
0x87: {  	_ =	swait.ge [sflag:s7], $0xFA0  }
0x88: {  	[sflag:s7] =	ssyncset.done $0x0  }
0x89: {  	[sflag:s7] =	ssyncadd.s32 $0xFFFFF060  }
0x8a: {  	_ =	swait.ge [sflag:s9], $0xFA0  }
0x8b: {  	[sflag:s9] =	ssyncset.done $0x0  }
0x8c: {  	[sflag:s9] =	ssyncadd.s32 $0xFFFFF060  }
0x8d: {  	[bflag:$0x0] =	sbarrier.arrive $0xFFFF  }
0x8e: {  	s12 =	rddreg [dreg:$0xb]  }
0x8f: {  	[hbm:s12], [sflag:s8] =	dma.local [spmem:s11], $0x320  }
0x90: {  	_ =	swait.ge [sflag:s21], $0x320  }
0x91: {  	s10 =	sadd.s32 $0x1, s10;
	s16 =	rddreg [dreg:$0xc]  }
0x92: {  	p0 =	sne.s32 s10, s16  }
.Ltmp1:
0x93: {  	_ = 	snop;
	(pc) =	sbr.rel @p0 .LBB2_1-.Ltmp1, $3  }
0x94: {  	_ =	sdelay $0x1  }
0x95: {  	[sflag:s21] =	ssyncset.done $0x0  }
0x96: {  	[sflag:s21] =	ssyncadd.s32 $0xFFFFFCE0  }
0x97: {  	_ =	sfence.sel $0x180000  }
0x98: {  	[bflag:$0x0] =	sbarrier.arrive $0xFFFF  }
0x99: {  	_ =	strace $0x9000004D  }
0x9a: {  	s0 =	stileid.u32;
	[bflag:$0x2] =	sbarrier.arrive $0xFFFF  }
0x9b: {  	p0 =	sne.s32 s0, $0x0;
	s0 =	rddreg [dreg:$0x3]  }
0x9c: {  	s0 =	sadd.s32 @!p0 $0x100000, s0  }
0x9d: {  	[sflag:s0] =	ssyncadd.tile.s32 @!p0 $0x1;
	_ =	shalt  }
.Lfunc_end2:
_tile_overlayer_lowered:
.L_overlay_start_2:
0x9e: {  	(tag) =	ssettag $0x2  }
0x9f: {  	s0 =	rddreg [dreg:$0x0];
	s2 =	stileid.u32  }
0xa0: {  	s1 =	rddreg [dreg:$0x1];
	p0 =	sne.s32 s2, $0x0  }
0xa1: {  	s3 =	rddreg [dreg:$0x2];
	[bflag:$0x3] =	sbarrier.arrive $0xFFFF;
	s2 =	simm.s32 @!p0 $0x1C07  }
0xa2: {  	[timem:s3], [sflag:s2] =	dma.local @!p0 [hbm:s0], s1  }
0xa3: {  	s0 =	simm.s32 @!p0 $0x7  }
0xa4: {  	_ =	swait.ge @!p0 [sflag:s0], s1  }
0xa5: {  	s1 =	ssub.s32 @!p0 $0x0, s1;
	[sflag:s0] =	ssyncset.done @!p0 $0x0  }
0xa6: {  	[sflag:s0] =	ssyncadd.s32 @!p0 s1  }
0xa7: {  	[bflag:$0x3] =	sbarrier.arrive $0xFFFF  }
0xa8: {  	_ =	shalt  }

// kernel: kernel.8.cloned.1.call-start
scs
__scs_entry_jumppad:
0x0: {  	(pc) =	sbr.rel $0x88, $3  }
0x1: {  	(tag) =	ssettag $0x0;
	lr =	simm.s32 $0x1  }
0x2: {  	[smem:$0x3F9B] =	sst lr;
	_ =	strace $0xD0000000  }
0x3: {  	_ = 	snop  }
0x4: {  	_ = 	snop  }
0x5: {  	_ = 	snop  }
0x6: {  	_ = 	snop  }
0x7: {  	_ = 	snop  }
__scs_overlays_trampoline_lowered:
0x8: {  	[smem:$0x3FAA] =	sst s0  }
0x9: {  	[smem:$0x3FAB] =	sst s1  }
0xa: {  	[smem:$0x3FAC] =	sst s2  }
0xb: {  	[smem:$0x3FAD] =	sst s3  }
0xc: {  	[smem:$0x3FAE] =	sst s4  }
0xd: {  	[smem:$0x3FAF] =	sst s5  }
0xe: {  	[smem:$0x3FB0] =	sst s6  }
0xf: {  	[smem:$0x3FB1] =	sst s7  }
0x10: {  	[smem:$0x3FB2] =	sst s8  }
0x11: {  	[smem:$0x3FB3] =	sst s9;
	s0 =	simm.s32 @!p0 $0x0  }
0x12: {  	s1 =	sld [smem:$0x3F99];
	s0 =	simm.s32 @p0 $0x1  }
0x13: {  	[smem:$0x3FB4] =	sst s0;
	s0 =	simm.s32 @!p1 $0x0  }
0x14: {  	s2 =	sld [smem:$0x3F98];
	s0 =	simm.s32 @p1 $0x1  }
0x15: {  	[smem:$0x3FB5] =	sst s0;
	s0 =	simm.s32 @!p2 $0x0  }
0x16: {  	s3 =	sld [smem:$0x3FDB];
	s0 =	simm.s32 @p2 $0x1  }
0x17: {  	s4 =	simm.s32 $0x1BF5;
	[smem:$0x3FB7] =	sst s0  }
0x18: {  	s0 =	sld [smem:$0x3F9A];
	_ =	swait.ge [sflag:s4], $0x0  }
0x19: {  	s7 =	sld [smem:$0x3F9B]  }
0x1a: {  	s8 =	sadd.s32 $0xFFFFE003, lr  }
0x1b: {  	s9 =	sadd.s32 $0xFFFFFEF7, lr;
	s5 =	simm.s32 $0xFFFFFFFF;
	p2 =	slt.u32 s8, $0xFFFFF086  }
0x1c: {  	p1 =	slt.u32 s9, $0xF7A;
	s5 =	simm.s32 @!p2 $0x0  }
0x1d: {  	s5 =	simm.s32 @p1 $0x1;
	p0 =	seq.s32 s7, s2  }
0x1e: {  	s7 =	smul.u32 @!p0 $0xF7A, s2;
	p2 =	seq.s32 @!p0 s5, $0x0  }
0x1f: {  	s9 =	smul.u32 $0xF7A, s1;
	s8 =	simm.s32 @!p0 $0x1BF5;
	p2 =	por !p2, p0  }
0x20: {  	[sflag:s8] =	ssyncset.s32 @!p0 $0xFFFFF086;
	s6 =	sadd.s32 @!p0 s3, s7;
	s7 =	simm.s32 @!p0 $0x108  }
0x21: {  	s3 =	sadd.s32 s3, s9;
	s6 =	sadd.s32 @!p0 $0x88, s6;
	s7 =	simm.s32 @p2 $0x1082  }
0x22: {  	[simem:s7], [sflag:s8] =	dma.local @!p0 [hbm:s6], $0xF7A  }
0x23: {  	s9 =	sor.u32 $0xD0000000, s2;
	s6 =	simm.s32 $0x108;
	_ =	swait.ge @!p0 [sflag:s8], $0x0  }
0x24: {  	s3 =	sadd.s32 $0x88, s3;
	s6 =	simm.s32 @!p1 $0x1082;
	[sflag:s4] =	ssyncset.s32 $0xFFFFF086  }
0x25: {  	[simem:s6], [sflag:s4] =	dma.local [hbm:s3], $0xF7A  }
0x26: {  	[smem:$0x3F9B] =	sst s1;
	(tag) =	ssettag s2;
	_ =	strace s9  }
0x27: {  	s1 =	sld [smem:$0x3FAB]  }
0x28: {  	s2 =	sld [smem:$0x3FAC]  }
0x29: {  	s4 =	sld [smem:$0x3FAE]  }
0x2a: {  	p0 =	seq.s32 s5, $0x0;
	s5 =	sld [smem:$0x3FAF]  }
0x2b: {  	s6 =	sld [smem:$0x3FB0]  }
0x2c: {  	s7 =	sld [smem:$0x3FB1]  }
0x2d: {  	s3 =	simm.s32 $0x108;
	s8 =	sld [smem:$0x3FB2]  }
0x2e: {  	s3 =	simm.s32 @!p0 $0x1082;
	s9 =	sld [smem:$0x3FB3]  }
0x2f: {  	lr =	sadd.s32 s0, s3;
	s0 =	sld [smem:$0x3FAA]  }
0x30: {  	s3 =	sld [smem:$0x3FAD]  }
0x31: {  	[smem:$0x3FB6] =	sst s10  }
0x32: {  	s10 =	sld [smem:$0x3FB4];
	_ =	sdelay $0x3  }
0x33: {  	p0 =	seq.s32 s10, $0x1;
	s10 =	sld [smem:$0x3FB6];
	_ =	sdelay $0x3  }
0x34: {  	[smem:$0x3FB6] =	sst s10  }
0x35: {  	s10 =	sld [smem:$0x3FB5];
	_ =	sdelay $0x3  }
0x36: {  	p1 =	seq.s32 s10, $0x1;
	s10 =	sld [smem:$0x3FB6];
	_ =	sdelay $0x3  }
0x37: {  	[smem:$0x3FB6] =	sst s10  }
0x38: {  	s10 =	sld [smem:$0x3FB7]  }
0x39: {  	_ = 	snop;
	(pc) =	sbr.ind lr, $3  }
0x3a: {  	_ = 	snop  }
0x3b: {  	_ = 	snop  }
0x3c: {  	p2 =	seq.s32 s10, $0x1;
	s10 =	sld [smem:$0x3FB6]  }
0x3d: {  	_ =	shalt  }
0x3e: {  	_ =	shalt  }
0x3f: {  	_ =	shalt  }
0x40: {  	_ =	shalt  }
0x41: {  	_ =	shalt  }
0x42: {  	_ =	shalt  }
0x43: {  	_ =	shalt  }
0x44: {  	_ =	shalt  }
0x45: {  	_ =	shalt  }
0x46: {  	_ =	shalt  }
0x47: {  	_ =	shalt  }
0x48: {  	_ =	shalt  }
0x49: {  	_ =	shalt  }
0x4a: {  	_ =	shalt  }
0x4b: {  	_ =	shalt  }
0x4c: {  	_ =	shalt  }
0x4d: {  	_ =	shalt  }
0x4e: {  	_ =	shalt  }
0x4f: {  	_ =	shalt  }
0x50: {  	_ =	shalt  }
0x51: {  	_ =	shalt  }
0x52: {  	_ =	shalt  }
0x53: {  	_ =	shalt  }
0x54: {  	_ =	shalt  }
0x55: {  	_ =	shalt  }
0x56: {  	_ =	shalt  }
0x57: {  	_ =	shalt  }
0x58: {  	_ =	shalt  }
0x59: {  	_ =	shalt  }
0x5a: {  	_ =	shalt  }
0x5b: {  	_ =	shalt  }
0x5c: {  	_ =	shalt  }
0x5d: {  	_ =	shalt  }
0x5e: {  	_ =	shalt  }
0x5f: {  	_ =	shalt  }
0x60: {  	_ =	shalt  }
0x61: {  	_ =	shalt  }
0x62: {  	_ =	shalt  }
0x63: {  	_ =	shalt  }
0x64: {  	_ =	shalt  }
0x65: {  	_ =	shalt  }
0x66: {  	_ =	shalt  }
0x67: {  	_ =	shalt  }
0x68: {  	_ =	shalt  }
0x69: {  	_ =	shalt  }
0x6a: {  	_ =	shalt  }
0x6b: {  	_ =	shalt  }
0x6c: {  	_ =	shalt  }
0x6d: {  	_ =	shalt  }
0x6e: {  	_ =	shalt  }
0x6f: {  	_ =	shalt  }
0x70: {  	_ =	shalt  }
0x71: {  	_ =	shalt  }
0x72: {  	_ =	shalt  }
0x73: {  	_ =	shalt  }
0x74: {  	_ =	shalt  }
0x75: {  	_ =	shalt  }
0x76: {  	_ =	shalt  }
0x77: {  	_ =	shalt  }
0x78: {  	_ =	shalt  }
0x79: {  	_ =	shalt  }
0x7a: {  	_ =	shalt  }
0x7b: {  	_ =	shalt  }
0x7c: {  	_ =	shalt  }
0x7d: {  	_ =	shalt  }
0x7e: {  	_ =	shalt  }
0x7f: {  	_ =	shalt  }
0x80: {  	_ =	shalt  }
0x81: {  	_ =	shalt  }
0x82: {  	_ =	shalt  }
0x83: {  	_ =	shalt  }
0x84: {  	_ =	shalt  }
0x85: {  	_ =	shalt  }
0x86: {  	_ =	shalt  }
0x87: {  	_ =	shalt  }
.Lfunc_end0:
.L_simem_size_0:
called_computation_lowered:
.L_overlay_start_0:
0x88: {  	s2 =	sld [smem:$0x3FD9]  }
0x89: {  	s3 =	sld [smem:$0x3FFE];
	_ =	sdelay $0x1  }
0x8a: {  	s1 =	srdreg.scid  }
0x8b: {  	s0 =	sand.u32 $0x1, s1  }
0x8c: {  	s17 =	sshll.u32 s0, $0xA;
	s2 =	sadd.s32 s3, s2  }
0x8d: {  	s2 =	sadd.s32 s2, s17  }
0x8e: {  	[smem:$0x3FC2] =	sst s2  }
0x8f: {  	_ = 	snop  }
0x90: {  	s2 =	sld [smem:$0x3FD0];
	(tm) =	ssettm $0x1  }
0x91: {  	s18 =	sld [smem:$0x3FFB];
	_ =	sdelay $0x3  }
0x92: {  	_ =	strace s18  }
0x93: {  	s3 =	sld [smem:$0x3FFC];
	_ =	sdelay $0x3  }
0x94: {  	_ =	strace s3  }
0x95: {  	s3 =	sld [smem:$0x3FFD];
	_ =	sdelay $0x3  }
0x96: {  	_ =	strace s3  }
0x97: {  	_ =	strace $0x8FFFFFFF  }
0x98: {  	s19 =	sld [smem:$0x3FDB];
	_ =	sdelay $0x1  }
0x99: {  	s4 =	simm.s32 $_scs_section_size  }
0x9a: {  	s5 =	simm.s32 $_size__tile_overlayer_lowered;
	s6 =	simm.s32 $_tile_overlayer_lowered  }
0x9b: {  	s22 =	simm.s32 $0x1BFF;
	s21 =	sshll.u32 s6, $0x1;
	s3 =	sadd.s32 s4, s19  }
0x9c: {  	s7 =	simm.s32 $0x0;
	s20 =	sshll.u32 s5, $0x1;
	s5 =	sadd.s32 s21, s3  }
0x9d: {  	[timem:s7], [sflag:s22] =	dma.local [hbm:s5], s20  }
0x9e: {  	_ =	swait.ge [sflag:s22], s20  }
0x9f: {  	s4 =	ssub.s32 $0x0, s20;
	[sflag:s22] =	ssyncset.done $0x0  }
0xa0: {  	[sflag:s22] =	ssyncadd.s32 s4;
	_ =	sdelay $0x1  }
0xa1: {  	s23 =	simm.s32 $0x1B8B  }
0xa2: {  	_ =	swait.ge [sflag:s23], $0x1  }
0xa3: {  	[sflag:s23] =	ssyncset.done $0x0  }
0xa4: {  	s25 =	simm.s32 $0x1B8E;
	s24 =	sld [smem:$0x3FFE];
	[sflag:s23] =	ssyncadd.s32 $0xFFFFFFFF  }
0xa5: {  	s26 =	simm.s32 $execute0_lowered;
	[smem:$0x3FD2] =	sst s25  }
0xa6: {  	s5 =	sshll.u32 s26, $0x1;
	_ =	strace $0x80000046;
	[dreg:$0x1] =	wrdreg $0xFFFFFFFF  }
0xa7: {  	s28 =	simm.s32 $_size_execute0_lowered;
	s3 =	sadd.s32 s3, s5;
	[dreg:$0x0] =	wrdreg $0x0  }
0xa8: {  	s5 =	sshll.u32 s28, $0x1;
	[dreg:$0x2] =	wrdreg s3  }
0xa9: {  	[dreg:$0x3] =	wrdreg s5  }
0xaa: {  	[dreg:$0x4] =	wrdreg $0xC0  }
0xab: {  	_ =	task [dreg:s7], $0x5FFFF  }
0xac: {  	[dreg:$0x1] =	wrdreg $0xFFFFFFFF  }
0xad: {  	[dreg:$0x0] =	wrdreg $0x60  }
0xae: {  	[dreg:$0x2] =	wrdreg s24  }
0xaf: {  	[dreg:$0x3] =	wrdreg s2  }
0xb0: {  	[dreg:$0x4] =	wrdreg $0x0  }
0xb1: {  	[dreg:$0x5] =	wrdreg $0x9  }
0xb2: {  	_ =	task.clear_ibuf [dreg:s7], $0x6FFFF;
	_ =	strace $0x90000046  }
0xb3: {  	s29 =	simm.s32 $0x9;
	_ =	strace $0x80000048  }
0xb4: {  	_ =	swait.ge [sflag:s29], $0x1  }
0xb5: {  	[sflag:s29] =	ssyncadd.s32 $0xFFFFFFFF  }
0xb6: {  	_ =	strace $0x90000048  }
0xb7: {  	_ =	sfence  }
0xb8: {  	s30 =	sld [smem:$0x0];
	_ =	sdelay $0x2  }
0xb9: {  	s31 =	sshll.u32 s1, $0xD;
	s1 =	sshrl.u32 s1, $0x2  }
0xba: {  	s3 =	sand.u32 $0x4000, s31;
	s1 =	sadd.s32 s1, s30  }
0xbb: {  	s0 =	sor.u32 s3, s0;
	s1 =	sshll.u32 s1, $0x11  }
0xbc: {  	s0 =	sor.u32 s1, s0  }
0xbd: {  	s0 =	sadd.s32 $0x8F2B, s0  }
0xbe: {  	[sflag:s0] =	ssyncadd.remote.s32 $0x1  }
0xbf: {  	_ =	sfence.sel $0xFFFF  }
0xc0: {  	[dreg:$0x0] =	wrdreg $0xFFFFFFFF;
	(pc) =	sbr.abs _section_cstart, $3  }
0xc1: {  	[dreg:$0x1] =	wrdreg $0xFFFFFFFF  }
0xc2: {  	_ =	task.clear_ibuf [dreg:s7], $0x2FFFF;
	_ =	strace $0x9FFFFFFF  }
0xc3: {  	(tm) =	ssettm $0x7FFFFFFF  }
tec
execute0_lowered:
.L_overlay_start_1:
0x0: {  	(tag) =	ssettag $0x1  }
0x1: {  	s6 =	rddreg [dreg:$0x0]  }
0x2: {  	s2 =	rddreg [dreg:$0x1]  }
0x3: {  	s3 =	rddreg [dreg:$0x2]  }
0x4: {  	s0 =	rddreg [dreg:$0x3];
	s4 =	simm.s32 $0x0;
	s1 =	stileid.u32  }
0x5: {  	s5 =	srdreg.scid;
	s16 =	simm.s32 $0x1900;
	s17 =	simm.s32 $0x28A0  }
0x6: {  	s18 =	simm.s32 $0x3840;
	s19 =	simm.s32 $0x1;
	s20 =	simm.s32 $0xFA0  }
0x7: {  	s21 =	simm.s32 $0x2;
	s22 =	simm.s32 $0x3;
	s23 =	simm.s32 $0x4  }
0x8: {  	s24 =	simm.s32 $0x0;
	[smem:$0x7FF] =	sst s4;
	s7 =	smul.u32 $0x1900, s1  }
0x9: {  	s8 =	sand.u32 $0x1, s5;
	s14 =	smul.u32 $0x30D40, s1;
	s29 =	sshll.u32 s1, $0x6  }
0xa: {  	_ =	strace $0x80000047;
	s5 =	sshll.u32 s8, $0x4;
	s10 =	smul.u32 $0x19000, s8  }
0xb: {  	s12 =	ssub.s32 $0x2, s8;
	s8 =	smul.u32 $0x30D400, s8;
	s9 =	sshrl.u32 s7, $0x3  }
0xc: {  	s11 =	sor.u32 s1, s5;
	s5 =	sadd.s32 $0x1A00, s6;
	s13 =	sshrl.u32 s12, $0x1  }
0xd: {  	s15 =	sadd.s32 s7, s3;
	s9 =	sadd.s32 s9, s6;
	s11 =	smul.u32 $0x30D40, s11  }
0xe: {  	s10 =	sadd.s32 s7, s10;
	s12 =	ssub.s32 s12, s13;
	s28 =	sadd.s32 s14, s8  }
0xf: {  	s8 =	sor.u32 $0x1C05, s29;
	s14 =	sshrl.u32 s15, $0x3;
	s15 =	simm.s32 $0x5  }
0x10: {  	s10 =	sshrl.u32 s10, $0x3;
	s30 =	sadd.s32 $0x2EE0, s28;
	s13 =	sadd.s32 $0x1F40, s28  }
0x11: {  	s10 =	sadd.s32 s10, s6;
	s6 =	sadd.s32 $0x188600, s9;
	s26 =	sshrl.u32 s11, $0x3  }
0x12: {  	s31 =	sshrl.u32 s30, $0x3;
	s11 =	smax.u32 s12, $0x1;
	s7 =	sadd.s32 s5, s26  }
0x13: {  	s10 =	sadd.s32 $0x18B800, s10;
	s12 =	sadd.s32 s31, s5;
	s9 =	sadd.s32 $0x1F4, s7  }
.LBB2_1:
0x14: {  	[spmem:s14], [sflag:s8] =	dma.local [hbm:s6], $0x320  }
0x15: {  	_ =	swait.ge [sflag:s15], $0x320  }
0x16: {  	[sflag:s15] =	ssyncset.done $0x0  }
0x17: {  	[sflag:s15] =	ssyncadd.s32 $0xFFFFFCE0  }
0x18: {  	[tilespmem:s16], [sflag:$0x5] =	stream.linear.gather [hbm4b:s2+s4], $0xFA0, $0x38;
	[tilespmem:$0x47E0] =	vst v63  }
0x19: {  	_ =	swait.ge [sflag:s15], $0xFA0  }
0x1a: {  	[sflag:s15] =	ssyncset.done $0x0  }
0x1b: {  	[sflag:s15] =	ssyncadd.s32 $0xFFFFF060  }
0x1c: {  	[bflag:$0x0] =	sbarrier.arrive $0xFFFF  }
0x1d: {  	[tilespmem:s17], [sflag:$0x1] =	stream.linear.gather [hbm4b:s7+s4], $0xFA0, $0x38;
	[tilespmem:$0x47E0] =	vst v63  }
0x1e: {  	_ = 	snop  }
0x1f: {  	[tilespmem:s18], [sflag:$0x2] =	stream.linear.gather [hbm4b:s9+s4], $0xFA0, $0x38;
	[tilespmem:$0x47E0] =	vst v63  }
0x20: {  	_ =	swait.ge [sflag:s19], $0xFA0  }
0x21: {  	[sflag:s19] =	ssyncset.done $0x0  }
0x22: {  	[sflag:s19] =	ssyncadd.s32 $0xFFFFF060  }
0x23: {  	[spmem:s3] =	stream.indirect.scatter.add.f32 [tilespmem:s16], [sflag:$0x3], $0x1, s17, s20, $0xb8;
	[tilespmem:$0x47E0] =	vst v63  }
0x24: {  	_ =	swait.ge [sflag:s21], $0xFA0  }
0x25: {  	[sflag:s21] =	ssyncset.done $0x0  }
0x26: {  	[sflag:s21] =	ssyncadd.s32 $0xFFFFF060  }
0x27: {  	[spmem:s3] =	stream.indirect.scatter.add.f32 [tilespmem:s16], [sflag:$0x4], $0x1, s18, s20, $0xb8;
	[tilespmem:$0x47E0] =	vst v63  }
0x28: {  	_ =	swait.ge [sflag:s22], $0xFA0  }
0x29: {  	s25 =	sshrl.u32 s13, $0x3;
	[sflag:s22] =	ssyncset.done $0x0  }
0x2a: {  	s25 =	sadd.s32 s5, s25;
	[sflag:s22] =	ssyncadd.s32 $0xFFFFF060  }
0x2b: {  	[tilespmem:s17], [sflag:$0x1] =	stream.linear.gather [hbm4b:s25+s4], $0xFA0, $0x38;
	[tilespmem:$0x47E0] =	vst v63  }
0x2c: {  	_ =	swait.ge [sflag:s19], $0xFA0  }
0x2d: {  	[sflag:s19] =	ssyncset.done $0x0  }
0x2e: {  	[sflag:s19] =	ssyncadd.s32 $0xFFFFF060  }
0x2f: {  	[spmem:s3] =	stream.indirect.scatter.add.f32 [tilespmem:s16], [sflag:$0x3], $0x1, s17, s20, $0xb8;
	[tilespmem:$0x47E0] =	vst v63  }
0x30: {  	_ =	swait.ge [sflag:s23], $0xFA0  }
0x31: {  	[sflag:s23] =	ssyncset.done $0x0  }
0x32: {  	s31 =	sadd.s32 $0x0, s12;
	[sflag:s23] =	ssyncadd.s32 $0xFFFFF060  }
0x33: {  	[tilespmem:s18], [sflag:$0x2] =	stream.linear.gather [hbm4b:s31+s4], $0xFA0, $0x38;
	[tilespmem:$0x47E0] =	vst v63  }
0x34: {  	_ =	swait.ge [sflag:s21], $0xFA0  }
0x35: {  	[sflag:s21] =	ssyncset.done $0x0  }
0x36: {  	s26 =	sadd.s32 $0x1F40, s13;
	s25 =	simm.s32 $0x3E8;
	[sflag:s21] =	ssyncadd.s32 $0xFFFFF060  }
.LBB2_2:
0x37: {  	[spmem:s3] =	stream.indirect.scatter.add.f32 [tilespmem:s16], [sflag:$0x4], $0x1, s18, s20, $0xb8;
	[tilespmem:$0x47E0] =	vst v63  }
0x38: {  	s28 =	smov.u32 s25  }
0x39: {  	p0 =	sne.s32 s25, $0x59D8;
	s25 =	sadd.s32 $0x3E8, s25;
	_ =	swait.ge [sflag:s22], $0xFA0  }
0x3a: {  	s29 =	sshrl.u32 s26, $0x3;
	[sflag:s22] =	ssyncset.done $0x0  }
0x3b: {  	s29 =	sadd.s32 s5, s29;
	[sflag:s22] =	ssyncadd.s32 $0xFFFFF060  }
0x3c: {  	[tilespmem:s17], [sflag:$0x1] =	stream.linear.gather [hbm4b:s29+s4], $0xFA0, $0x38;
	[tilespmem:$0x47E0] =	vst v63  }
0x3d: {  	_ =	swait.ge [sflag:s19], $0xFA0  }
0x3e: {  	[sflag:s19] =	ssyncset.done $0x0  }
0x3f: {  	[sflag:s19] =	ssyncadd.s32 $0xFFFFF060  }
0x40: {  	[spmem:s3] =	stream.indirect.scatter.add.f32 [tilespmem:s16], [sflag:$0x3], $0x1, s17, s20, $0xb8;
	[tilespmem:$0x47E0] =	vst v63  }
0x41: {  	_ =	swait.ge [sflag:s23], $0xFA0  }
0x42: {  	[sflag:s23] =	ssyncset.done $0x0  }
.Ltmp0:
0x43: {  	s28 =	sadd.s32 s28, s12;
	[sflag:s23] =	ssyncadd.s32 $0xFFFFF060;
	(pc) =	sbr.rel @p0 .LBB2_2-.Ltmp0, $4  }
0x44: {  	[tilespmem:s18], [sflag:$0x2] =	stream.linear.gather [hbm4b:s28+s4], $0xFA0, $0x38;
	[tilespmem:$0x47E0] =	vst v63  }
0x45: {  	_ =	swait.ge [sflag:s21], $0xFA0  }
0x46: {  	[sflag:s21] =	ssyncset.done $0x0  }
0x47: {  	s26 =	sadd.s32 $0x1F40, s26;
	[sflag:s21] =	ssyncadd.s32 $0xFFFFF060  }
0x48: {  	[spmem:s3] =	stream.indirect.scatter.add.f32 [tilespmem:s16], [sflag:$0x4], $0x1, s18, s20, $0xb8;
	[tilespmem:$0x47E0] =	vst v63  }
0x49: {  	_ =	swait.ge [sflag:s22], $0xFA0  }
0x4a: {  	[sflag:s22] =	ssyncset.done $0x0  }
0x4b: {  	[sflag:s22] =	ssyncadd.s32 $0xFFFFF060  }
0x4c: {  	_ =	swait.ge [sflag:s23], $0xFA0  }
0x4d: {  	s24 =	sadd.s32 $0x1, s24;
	[sflag:s23] =	ssyncset.done $0x0  }
0x4e: {  	p0 =	sne.s32 s24, s11;
	[sflag:s23] =	ssyncadd.s32 $0xFFFFF060  }
.Ltmp1:
0x4f: {  	[bflag:$0x0] =	sbarrier.arrive $0xFFFF;
	(pc) =	sbr.rel @p0 .LBB2_1-.Ltmp1, $4  }
0x50: {  	[hbm:s10], [sflag:s8] =	dma.local [spmem:s14], $0x320  }
0x51: {  	_ =	swait.ge [sflag:s15], $0x320  }
0x52: {  	[sflag:s15] =	ssyncset.done $0x0  }
0x53: {  	[sflag:s15] =	ssyncadd.s32 $0xFFFFFCE0  }
0x54: {  	_ =	sfence.sel $0x180000  }
0x55: {  	[bflag:$0x0] =	sbarrier.arrive $0xFFFF  }
0x56: {  	p0 =	sne.s32 s1, $0x0;
	_ =	strace $0x90000047  }
0x57: {  	s0 =	sadd.s32 @!p0 $0x100000, s0;
	[bflag:$0x2] =	sbarrier.arrive $0xFFFF  }
0x58: {  	[sflag:s0] =	ssyncadd.tile.s32 @!p0 $0x1;
	_ =	shalt  }
.Lfunc_end2:
_tile_overlayer_lowered:
.L_overlay_start_2:
0x59: {  	(tag) =	ssettag $0x2  }
0x5a: {  	s0 =	rddreg [dreg:$0x0];
	s2 =	stileid.u32  }
0x5b: {  	s1 =	rddreg [dreg:$0x1];
	p0 =	sne.s32 s2, $0x0  }
0x5c: {  	s3 =	rddreg [dreg:$0x2];
	[bflag:$0x3] =	sbarrier.arrive $0xFFFF;
	s2 =	simm.s32 @!p0 $0x1C05  }
0x5d: {  	[timem:s3], [sflag:s2] =	dma.local @!p0 [hbm:s0], s1  }
0x5e: {  	s0 =	simm.s32 @!p0 $0x5  }
0x5f: {  	_ =	swait.ge @!p0 [sflag:s0], s1  }
0x60: {  	s1 =	ssub.s32 @!p0 $0x0, s1;
	[sflag:s0] =	ssyncset.done @!p0 $0x0  }
0x61: {  	[sflag:s0] =	ssyncadd.s32 @!p0 s1  }
0x62: {  	[bflag:$0x3] =	sbarrier.arrive $0xFFFF  }
0x63: {  	_ =	shalt  }

</sc_bundles>
